<compile_context>
chip_gen: v7x
topology: tpu7x:2x2x1
jax: 0.10.2.dev20260603
libtpu: 0.0.44.dev20260713+nightly
codegen_flags: <defaults>
</compile_context>

<pallas_src>
import jax
import jax.numpy as jnp
from jax import lax
from jax.experimental import pallas as pl
from jax.experimental.pallas import tpu as pltpu
from jax.experimental.pallas import tpu_sc as plsc

B = 16384
C = 128
NC = 2
NS = 16
NW = NC * NS
BPW = B // NW
IDXW = 128
NCHUNK = BPW // IDXW
NGRP = BPW // 16
GPC = IDXW // 16


def _sc_body(y_hbm, t_hbm, nan_hbm, out_hbm, y_v, idx_v, rows_v, tbl_sh,
             ysem, sem, wsem):
    sid = lax.axis_index("s")
    wid = sid * NC + lax.axis_index("c")
    base = wid * BPW
    y_copy = pltpu.async_copy(y_hbm.at[pl.ds(base, BPW)], y_v, ysem)
    t_copy = pltpu.async_copy(t_hbm, tbl_sh.at[pl.ds(sid * 3, 2)], sem)
    n_copy = pltpu.async_copy(nan_hbm, tbl_sh.at[pl.ds(sid * 3 + 2, 1)], sem)
    t_copy.wait()
    n_copy.wait()
    y_copy.wait()
    row_off = jnp.full((16,), sid * 3, jnp.int32)
    gathers = []
    for j in range(NCHUNK):
        for gg in range(GPC):
            g = j * GPC + gg
            v = y_v[pl.ds(g * 16, 16)]
            not_nan = v == v
            idx = jnp.where(not_nan, v, jnp.float32(2.0)).astype(jnp.int32)
            idx_v[j, pl.ds(gg * 16, 16)] = idx + row_off
        gathers.append(
            pltpu.async_copy(
                tbl_sh.at[idx_v.at[j]],
                rows_v.at[pl.ds(j * IDXW, IDXW)],
                sem,
            )
        )
    writes = []
    for j in range(NCHUNK):
        gathers[j].wait()
        writes.append(
            pltpu.async_copy(
                rows_v.at[pl.ds(j * IDXW, IDXW)],
                out_hbm.at[pl.ds(base + j * IDXW, IDXW)],
                wsem,
            )
        )
    for w in writes:
        w.wait()


@jax.jit
def _label_embed_sc(y, table, nan2d):
    mesh = plsc.VectorSubcoreMesh(core_axis_name="c", subcore_axis_name="s")
    f = pl.kernel(
        _sc_body,
        out_type=jax.ShapeDtypeStruct((B, C), jnp.float32),
        mesh=mesh,
        scratch_types=[
            pltpu.VMEM((BPW,), jnp.float32),
            pltpu.VMEM((NCHUNK, IDXW), jnp.int32),
            pltpu.VMEM((BPW, C), jnp.float32),
            pltpu.VMEM_SHARED((NS * 3, C), jnp.float32),
            pltpu.SemaphoreType.DMA,
            pltpu.SemaphoreType.DMA,
            pltpu.SemaphoreType.DMA,
        ],
    )
    return f(y, table, nan2d)


def kernel(y, table, nan_emb):
    return _label_embed_sc(y, table, nan_emb[None, :])

# --- scband reference (transcript-rebuilt; emitter-appended) ---
"""Pipeline reference for scband-label-embedder-47579647705248 (READ-ONLY COPY).

The authoritative reference and input builder live on the scoring server;
editing this copy changes nothing except your own understanding.
"""

import jax, jax.numpy as jnp
import numpy as np

B = 16384
C = 128

def setup_inputs(seed: int = 0) -> dict:
    key = jax.random.key(seed)
    k1, k2, k3, k4 = jax.random.split(key, 4)
    # binary labels as float so NaN can be represented (matches torch float input)
    y = jax.random.randint(k1, (B,), 0, 2).astype(jnp.float32)
    nan_mask = jax.random.uniform(k2, (B,)) < 0.1  # ~10% missing labels
    y = jnp.where(nan_mask, jnp.nan, y)
    # learned params: Embedding(2, C) table and nan embedding vector
    table = jax.random.normal(k3, (2, C), dtype=jnp.float32)
    nan_emb = jax.random.normal(k4, (C,), dtype=jnp.float32)
    return {"y": y, "table": table, "nan_emb": nan_emb}

def reference(y, table, nan_emb):
    # faithful translation of LabelEmbedder.forward for BINARY_CLASSIFICATION
    is_nan = jnp.isnan(y)
    # safe index for the NaN slots (they get overwritten by nan_emb anyway)
    safe_idx = jnp.where(is_nan, 0.0, y).astype(jnp.int32)
    emb = jnp.take(table, safe_idx, axis=0)          # embedding gather -> [B, C]
    out = jnp.where(is_nan[:, None], nan_emb[None, :], emb)
    return out

if __name__ == "__main__":
    import jax
    _d = setup_inputs()
    print(jax.jit(kernel)(*tuple(_d.values())))

</pallas_src>

<mosaic_0001>
#map = affine_map<(d0, d1) -> (0)>
#map1 = affine_map<(d0, d1) -> (0, 0)>
module attributes {stable_mosaic.version = 14 : i64} {
  func.func @_sc_body(%arg0: i32, %arg1: i32, %arg2: memref<16384xf32, #tpu.memory_space<hbm>>, %arg3: memref<2x128xf32, #tpu.memory_space<hbm>>, %arg4: memref<1x128xf32, #tpu.memory_space<hbm>>, %arg5: memref<16384x128xf32, #tpu.memory_space<hbm>>, %arg6: memref<512xf32, #tpu.memory_space<vmem>>, %arg7: memref<4x128xi32, #tpu.memory_space<vmem>>, %arg8: memref<512x128xf32, #tpu.memory_space<vmem>>, %arg9: memref<48x128xf32, #tpu.memory_space<vmem_shared>>, %arg10: memref<!tpu.dma_semaphore, #tpu.memory_space<semaphore_mem>>, %arg11: memref<!tpu.dma_semaphore, #tpu.memory_space<semaphore_mem>>, %arg12: memref<!tpu.dma_semaphore, #tpu.memory_space<semaphore_mem>>) attributes {dimension_semantics = [#tpu.dimension_semantics<core_parallel>, #tpu.dimension_semantics<subcore_parallel>], iteration_bounds = array<i64: 2, 16>, scalar_prefetch = 0 : i64, scratch_operands = 7 : i64, tpu.core_type = #tpu.core_type<sc_vector_subcore>, window_params = [{transform_indices = #map}, {transform_indices = #map1}, {transform_indices = #map1}, {transform_indices = #map1}]} {
    %mul3A = arith.constant 2 : i32
    %mul3A_0 = arith.muli %arg1, %mul3A : i32
    %add3A = arith.addi %mul3A_0, %arg0 : i32
    %mul3A_1 = arith.constant 512 : i32
    %mul3A_2 = arith.muli %add3A, %mul3A_1 : i32
    %dma_start3A = tpu.memref_slice %arg2[%mul3A_2] : memref<16384xf32, #tpu.memory_space<hbm>> -> memref<512xf32, #tpu.memory_space<hbm>>
    %dma_start3A_3 = tpu.memref_slice %arg2[%mul3A_2] : memref<16384xf32, #tpu.memory_space<hbm>> -> memref<512xf32, #tpu.memory_space<hbm>>
    tpu.enqueue_dma source(%dma_start3A_3 : memref<512xf32, #tpu.memory_space<hbm>>) target(%arg6 : memref<512xf32, #tpu.memory_space<vmem>>) target_semaphore(%arg10 : memref<!tpu.dma_semaphore, #tpu.memory_space<semaphore_mem>>)
    %mul3A_4 = arith.constant 3 : i32
    %mul3A_5 = arith.muli %arg1, %mul3A_4 : i32
    %dma_start3A_6 = arith.constant 0 : i32
    %dma_start3A_7 = tpu.memref_slice %arg9[%mul3A_5, %dma_start3A_6] : memref<48x128xf32, #tpu.memory_space<vmem_shared>> -> memref<2x128xf32, #tpu.memory_space<vmem_shared>>
    tpu.enqueue_dma source(%arg3 : memref<2x128xf32, #tpu.memory_space<hbm>>) target(%dma_start3A_7 : memref<2x128xf32, #tpu.memory_space<vmem_shared>>) target_semaphore(%arg11 : memref<!tpu.dma_semaphore, #tpu.memory_space<semaphore_mem>>)
    %mul3A_8 = arith.constant 3 : i32
    %mul3A_9 = arith.muli %arg1, %mul3A_8 : i32
    %add3A_10 = arith.constant 2 : i32
    %add3A_11 = arith.addi %mul3A_9, %add3A_10 : i32
    %dma_start3A_12 = arith.constant 0 : i32
    %dma_start3A_13 = tpu.memref_slice %arg9[%add3A_11, %dma_start3A_12] : memref<48x128xf32, #tpu.memory_space<vmem_shared>> -> memref<1x128xf32, #tpu.memory_space<vmem_shared>>
    tpu.enqueue_dma source(%arg4 : memref<1x128xf32, #tpu.memory_space<hbm>>) target(%dma_start3A_13 : memref<1x128xf32, #tpu.memory_space<vmem_shared>>) target_semaphore(%arg11 : memref<!tpu.dma_semaphore, #tpu.memory_space<semaphore_mem>>)
    %dma_wait3A = arith.constant 0 : i32
    %dma_wait3A_14 = tpu.memref_slice %arg9[%mul3A_5, %dma_wait3A] : memref<48x128xf32, #tpu.memory_space<vmem_shared>> -> memref<2x128xf32, #tpu.memory_space<vmem_shared>>
    tpu.wait_dma2 semaphore(%arg11 : memref<!tpu.dma_semaphore, #tpu.memory_space<semaphore_mem>>) src(%arg3 : memref<2x128xf32, #tpu.memory_space<hbm>>) dst(%dma_wait3A_14 : memref<2x128xf32, #tpu.memory_space<vmem_shared>>)
    %dma_wait3A_15 = arith.constant 0 : i32
    %dma_wait3A_16 = tpu.memref_slice %arg9[%add3A_11, %dma_wait3A_15] : memref<48x128xf32, #tpu.memory_space<vmem_shared>> -> memref<1x128xf32, #tpu.memory_space<vmem_shared>>
    tpu.wait_dma2 semaphore(%arg11 : memref<!tpu.dma_semaphore, #tpu.memory_space<semaphore_mem>>) src(%arg4 : memref<1x128xf32, #tpu.memory_space<hbm>>) dst(%dma_wait3A_16 : memref<1x128xf32, #tpu.memory_space<vmem_shared>>)
    %dma_wait3A_17 = tpu.memref_slice %arg2[%mul3A_2] : memref<16384xf32, #tpu.memory_space<hbm>> -> memref<512xf32, #tpu.memory_space<hbm>>
    %dma_wait3A_18 = tpu.memref_slice %arg2[%mul3A_2] : memref<16384xf32, #tpu.memory_space<hbm>> -> memref<512xf32, #tpu.memory_space<hbm>>
    tpu.wait_dma2 semaphore(%arg10 : memref<!tpu.dma_semaphore, #tpu.memory_space<semaphore_mem>>) src(%dma_wait3A_18 : memref<512xf32, #tpu.memory_space<hbm>>) dst(%arg6 : memref<512xf32, #tpu.memory_space<vmem>>)
    %mul3A_19 = arith.constant 3 : i32
    %mul3A_20 = arith.muli %arg1, %mul3A_19 : i32
    %broadcast_in_dim3A = vector.broadcast %mul3A_20 : i32 to vector<16xi32>
    %get3A = arith.constant 0 : index
    %get3A_21 = tpu.vector_load %arg6[%get3A] {strides = array<i32>} : memref<512xf32, #tpu.memory_space<vmem>>, vector<16xf32>,
    %get3A_22 = vector.shape_cast %get3A_21 : vector<16xf32> to vector<16xf32>
    %eq3A = arith.cmpf oeq, %get3A_22, %get3A_22 : vector<16xf32>
    %jit3A = arith.constant 2.000000e+00 : f32
    %broadcast_in_dim3A_23 = vector.broadcast %jit3A : f32 to vector<16xf32>
    %select_n3A = arith.select %eq3A, %get3A_22, %broadcast_in_dim3A_23 : vector<16xi1>, vector<16xf32>
    %convert_element_type3A = arith.fptosi %select_n3A : vector<16xf32> to vector<16xi32>
    %add3A_24 = arith.addi %convert_element_type3A, %broadcast_in_dim3A : vector<16xi32>
    %swap3A = arith.constant 0 : i32
    %swap3A_25 = arith.index_cast %swap3A : i32 to index
    %swap3A_26 = arith.constant 0 : index
    %swap3A_27 = tpu.vector_load %arg7[%swap3A_25, %swap3A_26] {strides = array<i32>} : memref<4x128xi32, #tpu.memory_space<vmem>>, vector<1x16xi32>,
    %swap3A_28 = vector.shape_cast %swap3A_27 : vector<1x16xi32> to vector<16xi32>
    %swap3A_29 = vector.shape_cast %add3A_24 : vector<16xi32> to vector<1x16xi32>
    tpu.vector_store %arg7[%swap3A_25, %swap3A_26], %swap3A_29 {strides = array<i32>} : memref<4x128xi32, #tpu.memory_space<vmem>>, vector<1x16xi32>,
    %get3A_30 = arith.constant 16 : index
    %get3A_31 = tpu.vector_load %arg6[%get3A_30] {strides = array<i32>} : memref<512xf32, #tpu.memory_space<vmem>>, vector<16xf32>,
    %get3A_32 = vector.shape_cast %get3A_31 : vector<16xf32> to vector<16xf32>
    %eq3A_33 = arith.cmpf oeq, %get3A_32, %get3A_32 : vector<16xf32>
    %jit3A_34 = arith.constant 2.000000e+00 : f32
    %broadcast_in_dim3A_35 = vector.broadcast %jit3A_34 : f32 to vector<16xf32>
    %select_n3A_36 = arith.select %eq3A_33, %get3A_32, %broadcast_in_dim3A_35 : vector<16xi1>, vector<16xf32>
    %convert_element_type3A_37 = arith.fptosi %select_n3A_36 : vector<16xf32> to vector<16xi32>
    %add3A_38 = arith.addi %convert_element_type3A_37, %broadcast_in_dim3A : vector<16xi32>
    %swap3A_39 = arith.constant 0 : i32
    %swap3A_40 = arith.index_cast %swap3A_39 : i32 to index
    %swap3A_41 = arith.constant 16 : index
    %swap3A_42 = tpu.vector_load %arg7[%swap3A_40, %swap3A_41] {strides = array<i32>} : memref<4x128xi32, #tpu.memory_space<vmem>>, vector<1x16xi32>,
    %swap3A_43 = vector.shape_cast %swap3A_42 : vector<1x16xi32> to vector<16xi32>
    %swap3A_44 = vector.shape_cast %add3A_38 : vector<16xi32> to vector<1x16xi32>
    tpu.vector_store %arg7[%swap3A_40, %swap3A_41], %swap3A_44 {strides = array<i32>} : memref<4x128xi32, #tpu.memory_space<vmem>>, vector<1x16xi32>,
    %get3A_45 = arith.constant 32 : index
    %get3A_46 = tpu.vector_load %arg6[%get3A_45] {strides = array<i32>} : memref<512xf32, #tpu.memory_space<vmem>>, vector<16xf32>,
    %get3A_47 = vector.shape_cast %get3A_46 : vector<16xf32> to vector<16xf32>
    %eq3A_48 = arith.cmpf oeq, %get3A_47, %get3A_47 : vector<16xf32>
    %jit3A_49 = arith.constant 2.000000e+00 : f32
    %broadcast_in_dim3A_50 = vector.broadcast %jit3A_49 : f32 to vector<16xf32>
    %select_n3A_51 = arith.select %eq3A_48, %get3A_47, %broadcast_in_dim3A_50 : vector<16xi1>, vector<16xf32>
    %convert_element_type3A_52 = arith.fptosi %select_n3A_51 : vector<16xf32> to vector<16xi32>
    %add3A_53 = arith.addi %convert_element_type3A_52, %broadcast_in_dim3A : vector<16xi32>
    %swap3A_54 = arith.constant 0 : i32
    %swap3A_55 = arith.index_cast %swap3A_54 : i32 to index
    %swap3A_56 = arith.constant 32 : index
    %swap3A_57 = tpu.vector_load %arg7[%swap3A_55, %swap3A_56] {strides = array<i32>} : memref<4x128xi32, #tpu.memory_space<vmem>>, vector<1x16xi32>,
    %swap3A_58 = vector.shape_cast %swap3A_57 : vector<1x16xi32> to vector<16xi32>
    %swap3A_59 = vector.shape_cast %add3A_53 : vector<16xi32> to vector<1x16xi32>
    tpu.vector_store %arg7[%swap3A_55, %swap3A_56], %swap3A_59 {strides = array<i32>} : memref<4x128xi32, #tpu.memory_space<vmem>>, vector<1x16xi32>,
    %get3A_60 = arith.constant 48 : index
    %get3A_61 = tpu.vector_load %arg6[%get3A_60] {strides = array<i32>} : memref<512xf32, #tpu.memory_space<vmem>>, vector<16xf32>,
    %get3A_62 = vector.shape_cast %get3A_61 : vector<16xf32> to vector<16xf32>
    %eq3A_63 = arith.cmpf oeq, %get3A_62, %get3A_62 : vector<16xf32>
    %jit3A_64 = arith.constant 2.000000e+00 : f32
    %broadcast_in_dim3A_65 = vector.broadcast %jit3A_64 : f32 to vector<16xf32>
    %select_n3A_66 = arith.select %eq3A_63, %get3A_62, %broadcast_in_dim3A_65 : vector<16xi1>, vector<16xf32>
    %convert_element_type3A_67 = arith.fptosi %select_n3A_66 : vector<16xf32> to vector<16xi32>
    %add3A_68 = arith.addi %convert_element_type3A_67, %broadcast_in_dim3A : vector<16xi32>
    %swap3A_69 = arith.constant 0 : i32
    %swap3A_70 = arith.index_cast %swap3A_69 : i32 to index
    %swap3A_71 = arith.constant 48 : index
    %swap3A_72 = tpu.vector_load %arg7[%swap3A_70, %swap3A_71] {strides = array<i32>} : memref<4x128xi32, #tpu.memory_space<vmem>>, vector<1x16xi32>,
    %swap3A_73 = vector.shape_cast %swap3A_72 : vector<1x16xi32> to vector<16xi32>
    %swap3A_74 = vector.shape_cast %add3A_68 : vector<16xi32> to vector<1x16xi32>
    tpu.vector_store %arg7[%swap3A_70, %swap3A_71], %swap3A_74 {strides = array<i32>} : memref<4x128xi32, #tpu.memory_space<vmem>>, vector<1x16xi32>,
    %get3A_75 = arith.constant 64 : index
    %get3A_76 = tpu.vector_load %arg6[%get3A_75] {strides = array<i32>} : memref<512xf32, #tpu.memory_space<vmem>>, vector<16xf32>,
    %get3A_77 = vector.shape_cast %get3A_76 : vector<16xf32> to vector<16xf32>
    %eq3A_78 = arith.cmpf oeq, %get3A_77, %get3A_77 : vector<16xf32>
    %jit3A_79 = arith.constant 2.000000e+00 : f32
    %broadcast_in_dim3A_80 = vector.broadcast %jit3A_79 : f32 to vector<16xf32>
    %select_n3A_81 = arith.select %eq3A_78, %get3A_77, %broadcast_in_dim3A_80 : vector<16xi1>, vector<16xf32>
    %convert_element_type3A_82 = arith.fptosi %select_n3A_81 : vector<16xf32> to vector<16xi32>
    %add3A_83 = arith.addi %convert_element_type3A_82, %broadcast_in_dim3A : vector<16xi32>
    %swap3A_84 = arith.constant 0 : i32
    %swap3A_85 = arith.index_cast %swap3A_84 : i32 to index
    %swap3A_86 = arith.constant 64 : index
    %swap3A_87 = tpu.vector_load %arg7[%swap3A_85, %swap3A_86] {strides = array<i32>} : memref<4x128xi32, #tpu.memory_space<vmem>>, vector<1x16xi32>,
    %swap3A_88 = vector.shape_cast %swap3A_87 : vector<1x16xi32> to vector<16xi32>
    %swap3A_89 = vector.shape_cast %add3A_83 : vector<16xi32> to vector<1x16xi32>
    tpu.vector_store %arg7[%swap3A_85, %swap3A_86], %swap3A_89 {strides = array<i32>} : memref<4x128xi32, #tpu.memory_space<vmem>>, vector<1x16xi32>,
    %get3A_90 = arith.constant 80 : index
    %get3A_91 = tpu.vector_load %arg6[%get3A_90] {strides = array<i32>} : memref<512xf32, #tpu.memory_space<vmem>>, vector<16xf32>,
    %get3A_92 = vector.shape_cast %get3A_91 : vector<16xf32> to vector<16xf32>
    %eq3A_93 = arith.cmpf oeq, %get3A_92, %get3A_92 : vector<16xf32>
    %jit3A_94 = arith.constant 2.000000e+00 : f32
    %broadcast_in_dim3A_95 = vector.broadcast %jit3A_94 : f32 to vector<16xf32>
    %select_n3A_96 = arith.select %eq3A_93, %get3A_92, %broadcast_in_dim3A_95 : vector<16xi1>, vector<16xf32>
    %convert_element_type3A_97 = arith.fptosi %select_n3A_96 : vector<16xf32> to vector<16xi32>
    %add3A_98 = arith.addi %convert_element_type3A_97, %broadcast_in_dim3A : vector<16xi32>
    %swap3A_99 = arith.constant 0 : i32
    %swap3A_100 = arith.index_cast %swap3A_99 : i32 to index
    %swap3A_101 = arith.constant 80 : index
    %swap3A_102 = tpu.vector_load %arg7[%swap3A_100, %swap3A_101] {strides = array<i32>} : memref<4x128xi32, #tpu.memory_space<vmem>>, vector<1x16xi32>,
    %swap3A_103 = vector.shape_cast %swap3A_102 : vector<1x16xi32> to vector<16xi32>
    %swap3A_104 = vector.shape_cast %add3A_98 : vector<16xi32> to vector<1x16xi32>
    tpu.vector_store %arg7[%swap3A_100, %swap3A_101], %swap3A_104 {strides = array<i32>} : memref<4x128xi32, #tpu.memory_space<vmem>>, vector<1x16xi32>,
    %get3A_105 = arith.constant 96 : index
    %get3A_106 = tpu.vector_load %arg6[%get3A_105] {strides = array<i32>} : memref<512xf32, #tpu.memory_space<vmem>>, vector<16xf32>,
    %get3A_107 = vector.shape_cast %get3A_106 : vector<16xf32> to vector<16xf32>
    %eq3A_108 = arith.cmpf oeq, %get3A_107, %get3A_107 : vector<16xf32>
    %jit3A_109 = arith.constant 2.000000e+00 : f32
    %broadcast_in_dim3A_110 = vector.broadcast %jit3A_109 : f32 to vector<16xf32>
    %select_n3A_111 = arith.select %eq3A_108, %get3A_107, %broadcast_in_dim3A_110 : vector<16xi1>, vector<16xf32>
    %convert_element_type3A_112 = arith.fptosi %select_n3A_111 : vector<16xf32> to vector<16xi32>
    %add3A_113 = arith.addi %convert_element_type3A_112, %broadcast_in_dim3A : vector<16xi32>
    %swap3A_114 = arith.constant 0 : i32
    %swap3A_115 = arith.index_cast %swap3A_114 : i32 to index
    %swap3A_116 = arith.constant 96 : index
    %swap3A_117 = tpu.vector_load %arg7[%swap3A_115, %swap3A_116] {strides = array<i32>} : memref<4x128xi32, #tpu.memory_space<vmem>>, vector<1x16xi32>,
    %swap3A_118 = vector.shape_cast %swap3A_117 : vector<1x16xi32> to vector<16xi32>
    %swap3A_119 = vector.shape_cast %add3A_113 : vector<16xi32> to vector<1x16xi32>
    tpu.vector_store %arg7[%swap3A_115, %swap3A_116], %swap3A_119 {strides = array<i32>} : memref<4x128xi32, #tpu.memory_space<vmem>>, vector<1x16xi32>,
    %get3A_120 = arith.constant 112 : index
    %get3A_121 = tpu.vector_load %arg6[%get3A_120] {strides = array<i32>} : memref<512xf32, #tpu.memory_space<vmem>>, vector<16xf32>,
    %get3A_122 = vector.shape_cast %get3A_121 : vector<16xf32> to vector<16xf32>
    %eq3A_123 = arith.cmpf oeq, %get3A_122, %get3A_122 : vector<16xf32>
    %jit3A_124 = arith.constant 2.000000e+00 : f32
    %broadcast_in_dim3A_125 = vector.broadcast %jit3A_124 : f32 to vector<16xf32>
    %select_n3A_126 = arith.select %eq3A_123, %get3A_122, %broadcast_in_dim3A_125 : vector<16xi1>, vector<16xf32>
    %convert_element_type3A_127 = arith.fptosi %select_n3A_126 : vector<16xf32> to vector<16xi32>
    %add3A_128 = arith.addi %convert_element_type3A_127, %broadcast_in_dim3A : vector<16xi32>
    %swap3A_129 = arith.constant 0 : i32
    %swap3A_130 = arith.index_cast %swap3A_129 : i32 to index
    %swap3A_131 = arith.constant 112 : index
    %swap3A_132 = tpu.vector_load %arg7[%swap3A_130, %swap3A_131] {strides = array<i32>} : memref<4x128xi32, #tpu.memory_space<vmem>>, vector<1x16xi32>,
    %swap3A_133 = vector.shape_cast %swap3A_132 : vector<1x16xi32> to vector<16xi32>
    %swap3A_134 = vector.shape_cast %add3A_128 : vector<16xi32> to vector<1x16xi32>
    tpu.vector_store %arg7[%swap3A_130, %swap3A_131], %swap3A_134 {strides = array<i32>} : memref<4x128xi32, #tpu.memory_space<vmem>>, vector<1x16xi32>,
    %dma_start3A_135 = arith.constant 0 : i32
    %dma_start3A_136 = arith.constant 0 : i32
    %dma_start3A_137 = arith.constant 0 : i32
    %dma_start3A_138 = tpu.memref_slice %arg8[%dma_start3A_136, %dma_start3A_137] : memref<512x128xf32, #tpu.memory_space<vmem>> -> memref<128x128xf32, #tpu.memory_space<vmem>>
    %dma_start3A_139 = arith.constant 0 : i32
    %dma_start3A_140 = tpu.memref_slice %arg7[%dma_start3A_135, %dma_start3A_139] : memref<4x128xi32, #tpu.memory_space<vmem>> -> memref<1x128xi32, #tpu.memory_space<vmem>>
    %dma_start3A_141 = tpu.memref_squeeze %dma_start3A_140 : memref<1x128xi32, #tpu.memory_space<vmem>> -> memref<128xi32, #tpu.memory_space<vmem>>
    %dma_start3A_142 = arith.constant 0 : i32
    %dma_start3A_143 = arith.constant 0 : i32
    %dma_start3A_144 = tpu.memref_slice %arg9[%dma_start3A_142, %dma_start3A_143] : memref<48x128xf32, #tpu.memory_space<vmem_shared>> -> memref<48x128xf32, #tpu.memory_space<vmem_shared>>
    tpu.enqueue_indirect_dma source(%dma_start3A_144 : memref<48x128xf32, #tpu.memory_space<vmem_shared>>) target(%dma_start3A_138 : memref<128x128xf32, #tpu.memory_space<vmem>>) offsets(%dma_start3A_141 : memref<128xi32, #tpu.memory_space<vmem>>) semaphore(%arg11 : memref<!tpu.dma_semaphore, #tpu.memory_space<semaphore_mem>>)
    %get3A_145 = arith.constant 128 : index
    %get3A_146 = tpu.vector_load %arg6[%get3A_145] {strides = array<i32>} : memref<512xf32, #tpu.memory_space<vmem>>, vector<16xf32>,
    %get3A_147 = vector.shape_cast %get3A_146 : vector<16xf32> to vector<16xf32>
    %eq3A_148 = arith.cmpf oeq, %get3A_147, %get3A_147 : vector<16xf32>
    %jit3A_149 = arith.constant 2.000000e+00 : f32
    %broadcast_in_dim3A_150 = vector.broadcast %jit3A_149 : f32 to vector<16xf32>
    %select_n3A_151 = arith.select %eq3A_148, %get3A_147, %broadcast_in_dim3A_150 : vector<16xi1>, vector<16xf32>
    %convert_element_type3A_152 = arith.fptosi %select_n3A_151 : vector<16xf32> to vector<16xi32>
    %add3A_153 = arith.addi %convert_element_type3A_152, %broadcast_in_dim3A : vector<16xi32>
    %swap3A_154 = arith.constant 1 : i32
    %swap3A_155 = arith.index_cast %swap3A_154 : i32 to index
    %swap3A_156 = arith.constant 0 : index
    %swap3A_157 = tpu.vector_load %arg7[%swap3A_155, %swap3A_156] {strides = array<i32>} : memref<4x128xi32, #tpu.memory_space<vmem>>, vector<1x16xi32>,
    %swap3A_158 = vector.shape_cast %swap3A_157 : vector<1x16xi32> to vector<16xi32>
    %swap3A_159 = vector.shape_cast %add3A_153 : vector<16xi32> to vector<1x16xi32>
    tpu.vector_store %arg7[%swap3A_155, %swap3A_156], %swap3A_159 {strides = array<i32>} : memref<4x128xi32, #tpu.memory_space<vmem>>, vector<1x16xi32>,
    %get3A_160 = arith.constant 144 : index
    %get3A_161 = tpu.vector_load %arg6[%get3A_160] {strides = array<i32>} : memref<512xf32, #tpu.memory_space<vmem>>, vector<16xf32>,
    %get3A_162 = vector.shape_cast %get3A_161 : vector<16xf32> to vector<16xf32>
    %eq3A_163 = arith.cmpf oeq, %get3A_162, %get3A_162 : vector<16xf32>
    %jit3A_164 = arith.constant 2.000000e+00 : f32
    %broadcast_in_dim3A_165 = vector.broadcast %jit3A_164 : f32 to vector<16xf32>
    %select_n3A_166 = arith.select %eq3A_163, %get3A_162, %broadcast_in_dim3A_165 : vector<16xi1>, vector<16xf32>
    %convert_element_type3A_167 = arith.fptosi %select_n3A_166 : vector<16xf32> to vector<16xi32>
    %add3A_168 = arith.addi %convert_element_type3A_167, %broadcast_in_dim3A : vector<16xi32>
    %swap3A_169 = arith.constant 1 : i32
    %swap3A_170 = arith.index_cast %swap3A_169 : i32 to index
    %swap3A_171 = arith.constant 16 : index
    %swap3A_172 = tpu.vector_load %arg7[%swap3A_170, %swap3A_171] {strides = array<i32>} : memref<4x128xi32, #tpu.memory_space<vmem>>, vector<1x16xi32>,
    %swap3A_173 = vector.shape_cast %swap3A_172 : vector<1x16xi32> to vector<16xi32>
    %swap3A_174 = vector.shape_cast %add3A_168 : vector<16xi32> to vector<1x16xi32>
    tpu.vector_store %arg7[%swap3A_170, %swap3A_171], %swap3A_174 {strides = array<i32>} : memref<4x128xi32, #tpu.memory_space<vmem>>, vector<1x16xi32>,
    %get3A_175 = arith.constant 160 : index
    %get3A_176 = tpu.vector_load %arg6[%get3A_175] {strides = array<i32>} : memref<512xf32, #tpu.memory_space<vmem>>, vector<16xf32>,
    %get3A_177 = vector.shape_cast %get3A_176 : vector<16xf32> to vector<16xf32>
    %eq3A_178 = arith.cmpf oeq, %get3A_177, %get3A_177 : vector<16xf32>
    %jit3A_179 = arith.constant 2.000000e+00 : f32
    %broadcast_in_dim3A_180 = vector.broadcast %jit3A_179 : f32 to vector<16xf32>
    %select_n3A_181 = arith.select %eq3A_178, %get3A_177, %broadcast_in_dim3A_180 : vector<16xi1>, vector<16xf32>
    %convert_element_type3A_182 = arith.fptosi %select_n3A_181 : vector<16xf32> to vector<16xi32>
    %add3A_183 = arith.addi %convert_element_type3A_182, %broadcast_in_dim3A : vector<16xi32>
    %swap3A_184 = arith.constant 1 : i32
    %swap3A_185 = arith.index_cast %swap3A_184 : i32 to index
    %swap3A_186 = arith.constant 32 : index
    %swap3A_187 = tpu.vector_load %arg7[%swap3A_185, %swap3A_186] {strides = array<i32>} : memref<4x128xi32, #tpu.memory_space<vmem>>, vector<1x16xi32>,
    %swap3A_188 = vector.shape_cast %swap3A_187 : vector<1x16xi32> to vector<16xi32>
    %swap3A_189 = vector.shape_cast %add3A_183 : vector<16xi32> to vector<1x16xi32>
    tpu.vector_store %arg7[%swap3A_185, %swap3A_186], %swap3A_189 {strides = array<i32>} : memref<4x128xi32, #tpu.memory_space<vmem>>, vector<1x16xi32>,
    %get3A_190 = arith.constant 176 : index
    %get3A_191 = tpu.vector_load %arg6[%get3A_190] {strides = array<i32>} : memref<512xf32, #tpu.memory_space<vmem>>, vector<16xf32>,
    %get3A_192 = vector.shape_cast %get3A_191 : vector<16xf32> to vector<16xf32>
    %eq3A_193 = arith.cmpf oeq, %get3A_192, %get3A_192 : vector<16xf32>
    %jit3A_194 = arith.constant 2.000000e+00 : f32
    %broadcast_in_dim3A_195 = vector.broadcast %jit3A_194 : f32 to vector<16xf32>
    %select_n3A_196 = arith.select %eq3A_193, %get3A_192, %broadcast_in_dim3A_195 : vector<16xi1>, vector<16xf32>
    %convert_element_type3A_197 = arith.fptosi %select_n3A_196 : vector<16xf32> to vector<16xi32>
    %add3A_198 = arith.addi %convert_element_type3A_197, %broadcast_in_dim3A : vector<16xi32>
    %swap3A_199 = arith.constant 1 : i32
    %swap3A_200 = arith.index_cast %swap3A_199 : i32 to index
    %swap3A_201 = arith.constant 48 : index
    %swap3A_202 = tpu.vector_load %arg7[%swap3A_200, %swap3A_201] {strides = array<i32>} : memref<4x128xi32, #tpu.memory_space<vmem>>, vector<1x16xi32>,
    %swap3A_203 = vector.shape_cast %swap3A_202 : vector<1x16xi32> to vector<16xi32>
    %swap3A_204 = vector.shape_cast %add3A_198 : vector<16xi32> to vector<1x16xi32>
    tpu.vector_store %arg7[%swap3A_200, %swap3A_201], %swap3A_204 {strides = array<i32>} : memref<4x128xi32, #tpu.memory_space<vmem>>, vector<1x16xi32>,
    %get3A_205 = arith.constant 192 : index
    %get3A_206 = tpu.vector_load %arg6[%get3A_205] {strides = array<i32>} : memref<512xf32, #tpu.memory_space<vmem>>, vector<16xf32>,
    %get3A_207 = vector.shape_cast %get3A_206 : vector<16xf32> to vector<16xf32>
    %eq3A_208 = arith.cmpf oeq, %get3A_207, %get3A_207 : vector<16xf32>
    %jit3A_209 = arith.constant 2.000000e+00 : f32
    %broadcast_in_dim3A_210 = vector.broadcast %jit3A_209 : f32 to vector<16xf32>
    %select_n3A_211 = arith.select %eq3A_208, %get3A_207, %broadcast_in_dim3A_210 : vector<16xi1>, vector<16xf32>
    %convert_element_type3A_212 = arith.fptosi %select_n3A_211 : vector<16xf32> to vector<16xi32>
    %add3A_213 = arith.addi %convert_element_type3A_212, %broadcast_in_dim3A : vector<16xi32>
    %swap3A_214 = arith.constant 1 : i32
    %swap3A_215 = arith.index_cast %swap3A_214 : i32 to index
    %swap3A_216 = arith.constant 64 : index
    %swap3A_217 = tpu.vector_load %arg7[%swap3A_215, %swap3A_216] {strides = array<i32>} : memref<4x128xi32, #tpu.memory_space<vmem>>, vector<1x16xi32>,
    %swap3A_218 = vector.shape_cast %swap3A_217 : vector<1x16xi32> to vector<16xi32>
    %swap3A_219 = vector.shape_cast %add3A_213 : vector<16xi32> to vector<1x16xi32>
    tpu.vector_store %arg7[%swap3A_215, %swap3A_216], %swap3A_219 {strides = array<i32>} : memref<4x128xi32, #tpu.memory_space<vmem>>, vector<1x16xi32>,
    %get3A_220 = arith.constant 208 : index
    %get3A_221 = tpu.vector_load %arg6[%get3A_220] {strides = array<i32>} : memref<512xf32, #tpu.memory_space<vmem>>, vector<16xf32>,
    %get3A_222 = vector.shape_cast %get3A_221 : vector<16xf32> to vector<16xf32>
    %eq3A_223 = arith.cmpf oeq, %get3A_222, %get3A_222 : vector<16xf32>
    %jit3A_224 = arith.constant 2.000000e+00 : f32
    %broadcast_in_dim3A_225 = vector.broadcast %jit3A_224 : f32 to vector<16xf32>
    %select_n3A_226 = arith.select %eq3A_223, %get3A_222, %broadcast_in_dim3A_225 : vector<16xi1>, vector<16xf32>
    %convert_element_type3A_227 = arith.fptosi %select_n3A_226 : vector<16xf32> to vector<16xi32>
    %add3A_228 = arith.addi %convert_element_type3A_227, %broadcast_in_dim3A : vector<16xi32>
    %swap3A_229 = arith.constant 1 : i32
    %swap3A_230 = arith.index_cast %swap3A_229 : i32 to index
    %swap3A_231 = arith.constant 80 : index
    %swap3A_232 = tpu.vector_load %arg7[%swap3A_230, %swap3A_231] {strides = array<i32>} : memref<4x128xi32, #tpu.memory_space<vmem>>, vector<1x16xi32>,
    %swap3A_233 = vector.shape_cast %swap3A_232 : vector<1x16xi32> to vector<16xi32>
    %swap3A_234 = vector.shape_cast %add3A_228 : vector<16xi32> to vector<1x16xi32>
    tpu.vector_store %arg7[%swap3A_230, %swap3A_231], %swap3A_234 {strides = array<i32>} : memref<4x128xi32, #tpu.memory_space<vmem>>, vector<1x16xi32>,
    %get3A_235 = arith.constant 224 : index
    %get3A_236 = tpu.vector_load %arg6[%get3A_235] {strides = array<i32>} : memref<512xf32, #tpu.memory_space<vmem>>, vector<16xf32>,
    %get3A_237 = vector.shape_cast %get3A_236 : vector<16xf32> to vector<16xf32>
    %eq3A_238 = arith.cmpf oeq, %get3A_237, %get3A_237 : vector<16xf32>
    %jit3A_239 = arith.constant 2.000000e+00 : f32
    %broadcast_in_dim3A_240 = vector.broadcast %jit3A_239 : f32 to vector<16xf32>
    %select_n3A_241 = arith.select %eq3A_238, %get3A_237, %broadcast_in_dim3A_240 : vector<16xi1>, vector<16xf32>
    %convert_element_type3A_242 = arith.fptosi %select_n3A_241 : vector<16xf32> to vector<16xi32>
    %add3A_243 = arith.addi %convert_element_type3A_242, %broadcast_in_dim3A : vector<16xi32>
    %swap3A_244 = arith.constant 1 : i32
    %swap3A_245 = arith.index_cast %swap3A_244 : i32 to index
    %swap3A_246 = arith.constant 96 : index
    %swap3A_247 = tpu.vector_load %arg7[%swap3A_245, %swap3A_246] {strides = array<i32>} : memref<4x128xi32, #tpu.memory_space<vmem>>, vector<1x16xi32>,
    %swap3A_248 = vector.shape_cast %swap3A_247 : vector<1x16xi32> to vector<16xi32>
    %swap3A_249 = vector.shape_cast %add3A_243 : vector<16xi32> to vector<1x16xi32>
    tpu.vector_store %arg7[%swap3A_245, %swap3A_246], %swap3A_249 {strides = array<i32>} : memref<4x128xi32, #tpu.memory_space<vmem>>, vector<1x16xi32>,
    %get3A_250 = arith.constant 240 : index
    %get3A_251 = tpu.vector_load %arg6[%get3A_250] {strides = array<i32>} : memref<512xf32, #tpu.memory_space<vmem>>, vector<16xf32>,
    %get3A_252 = vector.shape_cast %get3A_251 : vector<16xf32> to vector<16xf32>
    %eq3A_253 = arith.cmpf oeq, %get3A_252, %get3A_252 : vector<16xf32>
    %jit3A_254 = arith.constant 2.000000e+00 : f32
    %broadcast_in_dim3A_255 = vector.broadcast %jit3A_254 : f32 to vector<16xf32>
    %select_n3A_256 = arith.select %eq3A_253, %get3A_252, %broadcast_in_dim3A_255 : vector<16xi1>, vector<16xf32>
    %convert_element_type3A_257 = arith.fptosi %select_n3A_256 : vector<16xf32> to vector<16xi32>
    %add3A_258 = arith.addi %convert_element_type3A_257, %broadcast_in_dim3A : vector<16xi32>
    %swap3A_259 = arith.constant 1 : i32
    %swap3A_260 = arith.index_cast %swap3A_259 : i32 to index
    %swap3A_261 = arith.constant 112 : index
    %swap3A_262 = tpu.vector_load %arg7[%swap3A_260, %swap3A_261] {strides = array<i32>} : memref<4x128xi32, #tpu.memory_space<vmem>>, vector<1x16xi32>,
    %swap3A_263 = vector.shape_cast %swap3A_262 : vector<1x16xi32> to vector<16xi32>
    %swap3A_264 = vector.shape_cast %add3A_258 : vector<16xi32> to vector<1x16xi32>
    tpu.vector_store %arg7[%swap3A_260, %swap3A_261], %swap3A_264 {strides = array<i32>} : memref<4x128xi32, #tpu.memory_space<vmem>>, vector<1x16xi32>,
    %dma_start3A_265 = arith.constant 1 : i32
    %dma_start3A_266 = arith.constant 128 : i32
    %dma_start3A_267 = arith.constant 0 : i32
    %dma_start3A_268 = tpu.memref_slice %arg8[%dma_start3A_266, %dma_start3A_267] : memref<512x128xf32, #tpu.memory_space<vmem>> -> memref<128x128xf32, #tpu.memory_space<vmem>>
    %dma_start3A_269 = arith.constant 0 : i32
    %dma_start3A_270 = tpu.memref_slice %arg7[%dma_start3A_265, %dma_start3A_269] : memref<4x128xi32, #tpu.memory_space<vmem>> -> memref<1x128xi32, #tpu.memory_space<vmem>>
    %dma_start3A_271 = tpu.memref_squeeze %dma_start3A_270 : memref<1x128xi32, #tpu.memory_space<vmem>> -> memref<128xi32, #tpu.memory_space<vmem>>
    %dma_start3A_272 = arith.constant 0 : i32
    %dma_start3A_273 = arith.constant 0 : i32
    %dma_start3A_274 = tpu.memref_slice %arg9[%dma_start3A_272, %dma_start3A_273] : memref<48x128xf32, #tpu.memory_space<vmem_shared>> -> memref<48x128xf32, #tpu.memory_space<vmem_shared>>
    tpu.enqueue_indirect_dma source(%dma_start3A_274 : memref<48x128xf32, #tpu.memory_space<vmem_shared>>) target(%dma_start3A_268 : memref<128x128xf32, #tpu.memory_space<vmem>>) offsets(%dma_start3A_271 : memref<128xi32, #tpu.memory_space<vmem>>) semaphore(%arg11 : memref<!tpu.dma_semaphore, #tpu.memory_space<semaphore_mem>>)
    %get3A_275 = arith.constant 256 : index
    %get3A_276 = tpu.vector_load %arg6[%get3A_275] {strides = array<i32>} : memref<512xf32, #tpu.memory_space<vmem>>, vector<16xf32>,
    %get3A_277 = vector.shape_cast %get3A_276 : vector<16xf32> to vector<16xf32>
    %eq3A_278 = arith.cmpf oeq, %get3A_277, %get3A_277 : vector<16xf32>
    %jit3A_279 = arith.constant 2.000000e+00 : f32
    %broadcast_in_dim3A_280 = vector.broadcast %jit3A_279 : f32 to vector<16xf32>
    %select_n3A_281 = arith.select %eq3A_278, %get3A_277, %broadcast_in_dim3A_280 : vector<16xi1>, vector<16xf32>
    %convert_element_type3A_282 = arith.fptosi %select_n3A_281 : vector<16xf32> to vector<16xi32>
    %add3A_283 = arith.addi %convert_element_type3A_282, %broadcast_in_dim3A : vector<16xi32>
    %swap3A_284 = arith.constant 2 : i32
    %swap3A_285 = arith.index_cast %swap3A_284 : i32 to index
    %swap3A_286 = arith.constant 0 : index
    %swap3A_287 = tpu.vector_load %arg7[%swap3A_285, %swap3A_286] {strides = array<i32>} : memref<4x128xi32, #tpu.memory_space<vmem>>, vector<1x16xi32>,
    %swap3A_288 = vector.shape_cast %swap3A_287 : vector<1x16xi32> to vector<16xi32>
    %swap3A_289 = vector.shape_cast %add3A_283 : vector<16xi32> to vector<1x16xi32>
    tpu.vector_store %arg7[%swap3A_285, %swap3A_286], %swap3A_289 {strides = array<i32>} : memref<4x128xi32, #tpu.memory_space<vmem>>, vector<1x16xi32>,
    %get3A_290 = arith.constant 272 : index
    %get3A_291 = tpu.vector_load %arg6[%get3A_290] {strides = array<i32>} : memref<512xf32, #tpu.memory_space<vmem>>, vector<16xf32>,
    %get3A_292 = vector.shape_cast %get3A_291 : vector<16xf32> to vector<16xf32>
    %eq3A_293 = arith.cmpf oeq, %get3A_292, %get3A_292 : vector<16xf32>
    %jit3A_294 = arith.constant 2.000000e+00 : f32
    %broadcast_in_dim3A_295 = vector.broadcast %jit3A_294 : f32 to vector<16xf32>
    %select_n3A_296 = arith.select %eq3A_293, %get3A_292, %broadcast_in_dim3A_295 : vector<16xi1>, vector<16xf32>
    %convert_element_type3A_297 = arith.fptosi %select_n3A_296 : vector<16xf32> to vector<16xi32>
    %add3A_298 = arith.addi %convert_element_type3A_297, %broadcast_in_dim3A : vector<16xi32>
    %swap3A_299 = arith.constant 2 : i32
    %swap3A_300 = arith.index_cast %swap3A_299 : i32 to index
    %swap3A_301 = arith.constant 16 : index
    %swap3A_302 = tpu.vector_load %arg7[%swap3A_300, %swap3A_301] {strides = array<i32>} : memref<4x128xi32, #tpu.memory_space<vmem>>, vector<1x16xi32>,
    %swap3A_303 = vector.shape_cast %swap3A_302 : vector<1x16xi32> to vector<16xi32>
    %swap3A_304 = vector.shape_cast %add3A_298 : vector<16xi32> to vector<1x16xi32>
    tpu.vector_store %arg7[%swap3A_300, %swap3A_301], %swap3A_304 {strides = array<i32>} : memref<4x128xi32, #tpu.memory_space<vmem>>, vector<1x16xi32>,
    %get3A_305 = arith.constant 288 : index
    %get3A_306 = tpu.vector_load %arg6[%get3A_305] {strides = array<i32>} : memref<512xf32, #tpu.memory_space<vmem>>, vector<16xf32>,
    %get3A_307 = vector.shape_cast %get3A_306 : vector<16xf32> to vector<16xf32>
    %eq3A_308 = arith.cmpf oeq, %get3A_307, %get3A_307 : vector<16xf32>
    %jit3A_309 = arith.constant 2.000000e+00 : f32
    %broadcast_in_dim3A_310 = vector.broadcast %jit3A_309 : f32 to vector<16xf32>
    %select_n3A_311 = arith.select %eq3A_308, %get3A_307, %broadcast_in_dim3A_310 : vector<16xi1>, vector<16xf32>
    %convert_element_type3A_312 = arith.fptosi %select_n3A_311 : vector<16xf32> to vector<16xi32>
    %add3A_313 = arith.addi %convert_element_type3A_312, %broadcast_in_dim3A : vector<16xi32>
    %swap3A_314 = arith.constant 2 : i32
    %swap3A_315 = arith.index_cast %swap3A_314 : i32 to index
    %swap3A_316 = arith.constant 32 : index
    %swap3A_317 = tpu.vector_load %arg7[%swap3A_315, %swap3A_316] {strides = array<i32>} : memref<4x128xi32, #tpu.memory_space<vmem>>, vector<1x16xi32>,
    %swap3A_318 = vector.shape_cast %swap3A_317 : vector<1x16xi32> to vector<16xi32>
    %swap3A_319 = vector.shape_cast %add3A_313 : vector<16xi32> to vector<1x16xi32>
    tpu.vector_store %arg7[%swap3A_315, %swap3A_316], %swap3A_319 {strides = array<i32>} : memref<4x128xi32, #tpu.memory_space<vmem>>, vector<1x16xi32>,
    %get3A_320 = arith.constant 304 : index
    %get3A_321 = tpu.vector_load %arg6[%get3A_320] {strides = array<i32>} : memref<512xf32, #tpu.memory_space<vmem>>, vector<16xf32>,
    %get3A_322 = vector.shape_cast %get3A_321 : vector<16xf32> to vector<16xf32>
    %eq3A_323 = arith.cmpf oeq, %get3A_322, %get3A_322 : vector<16xf32>
    %jit3A_324 = arith.constant 2.000000e+00 : f32
    %broadcast_in_dim3A_325 = vector.broadcast %jit3A_324 : f32 to vector<16xf32>
    %select_n3A_326 = arith.select %eq3A_323, %get3A_322, %broadcast_in_dim3A_325 : vector<16xi1>, vector<16xf32>
    %convert_element_type3A_327 = arith.fptosi %select_n3A_326 : vector<16xf32> to vector<16xi32>
    %add3A_328 = arith.addi %convert_element_type3A_327, %broadcast_in_dim3A : vector<16xi32>
    %swap3A_329 = arith.constant 2 : i32
    %swap3A_330 = arith.index_cast %swap3A_329 : i32 to index
    %swap3A_331 = arith.constant 48 : index
    %swap3A_332 = tpu.vector_load %arg7[%swap3A_330, %swap3A_331] {strides = array<i32>} : memref<4x128xi32, #tpu.memory_space<vmem>>, vector<1x16xi32>,
    %swap3A_333 = vector.shape_cast %swap3A_332 : vector<1x16xi32> to vector<16xi32>
    %swap3A_334 = vector.shape_cast %add3A_328 : vector<16xi32> to vector<1x16xi32>
    tpu.vector_store %arg7[%swap3A_330, %swap3A_331], %swap3A_334 {strides = array<i32>} : memref<4x128xi32, #tpu.memory_space<vmem>>, vector<1x16xi32>,
    %get3A_335 = arith.constant 320 : index
    %get3A_336 = tpu.vector_load %arg6[%get3A_335] {strides = array<i32>} : memref<512xf32, #tpu.memory_space<vmem>>, vector<16xf32>,
    %get3A_337 = vector.shape_cast %get3A_336 : vector<16xf32> to vector<16xf32>
    %eq3A_338 = arith.cmpf oeq, %get3A_337, %get3A_337 : vector<16xf32>
    %jit3A_339 = arith.constant 2.000000e+00 : f32
    %broadcast_in_dim3A_340 = vector.broadcast %jit3A_339 : f32 to vector<16xf32>
    %select_n3A_341 = arith.select %eq3A_338, %get3A_337, %broadcast_in_dim3A_340 : vector<16xi1>, vector<16xf32>
    %convert_element_type3A_342 = arith.fptosi %select_n3A_341 : vector<16xf32> to vector<16xi32>
    %add3A_343 = arith.addi %convert_element_type3A_342, %broadcast_in_dim3A : vector<16xi32>
    %swap3A_344 = arith.constant 2 : i32
    %swap3A_345 = arith.index_cast %swap3A_344 : i32 to index
    %swap3A_346 = arith.constant 64 : index
    %swap3A_347 = tpu.vector_load %arg7[%swap3A_345, %swap3A_346] {strides = array<i32>} : memref<4x128xi32, #tpu.memory_space<vmem>>, vector<1x16xi32>,
    %swap3A_348 = vector.shape_cast %swap3A_347 : vector<1x16xi32> to vector<16xi32>
    %swap3A_349 = vector.shape_cast %add3A_343 : vector<16xi32> to vector<1x16xi32>
    tpu.vector_store %arg7[%swap3A_345, %swap3A_346], %swap3A_349 {strides = array<i32>} : memref<4x128xi32, #tpu.memory_space<vmem>>, vector<1x16xi32>,
    %get3A_350 = arith.constant 336 : index
    %get3A_351 = tpu.vector_load %arg6[%get3A_350] {strides = array<i32>} : memref<512xf32, #tpu.memory_space<vmem>>, vector<16xf32>,
    %get3A_352 = vector.shape_cast %get3A_351 : vector<16xf32> to vector<16xf32>
    %eq3A_353 = arith.cmpf oeq, %get3A_352, %get3A_352 : vector<16xf32>
    %jit3A_354 = arith.constant 2.000000e+00 : f32
    %broadcast_in_dim3A_355 = vector.broadcast %jit3A_354 : f32 to vector<16xf32>
    %select_n3A_356 = arith.select %eq3A_353, %get3A_352, %broadcast_in_dim3A_355 : vector<16xi1>, vector<16xf32>
    %convert_element_type3A_357 = arith.fptosi %select_n3A_356 : vector<16xf32> to vector<16xi32>
    %add3A_358 = arith.addi %convert_element_type3A_357, %broadcast_in_dim3A : vector<16xi32>
    %swap3A_359 = arith.constant 2 : i32
    %swap3A_360 = arith.index_cast %swap3A_359 : i32 to index
    %swap3A_361 = arith.constant 80 : index
    %swap3A_362 = tpu.vector_load %arg7[%swap3A_360, %swap3A_361] {strides = array<i32>} : memref<4x128xi32, #tpu.memory_space<vmem>>, vector<1x16xi32>,
    %swap3A_363 = vector.shape_cast %swap3A_362 : vector<1x16xi32> to vector<16xi32>
    %swap3A_364 = vector.shape_cast %add3A_358 : vector<16xi32> to vector<1x16xi32>
    tpu.vector_store %arg7[%swap3A_360, %swap3A_361], %swap3A_364 {strides = array<i32>} : memref<4x128xi32, #tpu.memory_space<vmem>>, vector<1x16xi32>,
    %get3A_365 = arith.constant 352 : index
    %get3A_366 = tpu.vector_load %arg6[%get3A_365] {strides = array<i32>} : memref<512xf32, #tpu.memory_space<vmem>>, vector<16xf32>,
    %get3A_367 = vector.shape_cast %get3A_366 : vector<16xf32> to vector<16xf32>
    %eq3A_368 = arith.cmpf oeq, %get3A_367, %get3A_367 : vector<16xf32>
    %jit3A_369 = arith.constant 2.000000e+00 : f32
    %broadcast_in_dim3A_370 = vector.broadcast %jit3A_369 : f32 to vector<16xf32>
    %select_n3A_371 = arith.select %eq3A_368, %get3A_367, %broadcast_in_dim3A_370 : vector<16xi1>, vector<16xf32>
    %convert_element_type3A_372 = arith.fptosi %select_n3A_371 : vector<16xf32> to vector<16xi32>
    %add3A_373 = arith.addi %convert_element_type3A_372, %broadcast_in_dim3A : vector<16xi32>
    %swap3A_374 = arith.constant 2 : i32
    %swap3A_375 = arith.index_cast %swap3A_374 : i32 to index
    %swap3A_376 = arith.constant 96 : index
    %swap3A_377 = tpu.vector_load %arg7[%swap3A_375, %swap3A_376] {strides = array<i32>} : memref<4x128xi32, #tpu.memory_space<vmem>>, vector<1x16xi32>,
    %swap3A_378 = vector.shape_cast %swap3A_377 : vector<1x16xi32> to vector<16xi32>
    %swap3A_379 = vector.shape_cast %add3A_373 : vector<16xi32> to vector<1x16xi32>
    tpu.vector_store %arg7[%swap3A_375, %swap3A_376], %swap3A_379 {strides = array<i32>} : memref<4x128xi32, #tpu.memory_space<vmem>>, vector<1x16xi32>,
    %get3A_380 = arith.constant 368 : index
    %get3A_381 = tpu.vector_load %arg6[%get3A_380] {strides = array<i32>} : memref<512xf32, #tpu.memory_space<vmem>>, vector<16xf32>,
    %get3A_382 = vector.shape_cast %get3A_381 : vector<16xf32> to vector<16xf32>
    %eq3A_383 = arith.cmpf oeq, %get3A_382, %get3A_382 : vector<16xf32>
    %jit3A_384 = arith.constant 2.000000e+00 : f32
    %broadcast_in_dim3A_385 = vector.broadcast %jit3A_384 : f32 to vector<16xf32>
    %select_n3A_386 = arith.select %eq3A_383, %get3A_382, %broadcast_in_dim3A_385 : vector<16xi1>, vector<16xf32>
    %convert_element_type3A_387 = arith.fptosi %select_n3A_386 : vector<16xf32> to vector<16xi32>
    %add3A_388 = arith.addi %convert_element_type3A_387, %broadcast_in_dim3A : vector<16xi32>
    %swap3A_389 = arith.constant 2 : i32
    %swap3A_390 = arith.index_cast %swap3A_389 : i32 to index
    %swap3A_391 = arith.constant 112 : index
    %swap3A_392 = tpu.vector_load %arg7[%swap3A_390, %swap3A_391] {strides = array<i32>} : memref<4x128xi32, #tpu.memory_space<vmem>>, vector<1x16xi32>,
    %swap3A_393 = vector.shape_cast %swap3A_392 : vector<1x16xi32> to vector<16xi32>
    %swap3A_394 = vector.shape_cast %add3A_388 : vector<16xi32> to vector<1x16xi32>
    tpu.vector_store %arg7[%swap3A_390, %swap3A_391], %swap3A_394 {strides = array<i32>} : memref<4x128xi32, #tpu.memory_space<vmem>>, vector<1x16xi32>,
    %dma_start3A_395 = arith.constant 2 : i32
    %dma_start3A_396 = arith.constant 256 : i32
    %dma_start3A_397 = arith.constant 0 : i32
    %dma_start3A_398 = tpu.memref_slice %arg8[%dma_start3A_396, %dma_start3A_397] : memref<512x128xf32, #tpu.memory_space<vmem>> -> memref<128x128xf32, #tpu.memory_space<vmem>>
    %dma_start3A_399 = arith.constant 0 : i32
    %dma_start3A_400 = tpu.memref_slice %arg7[%dma_start3A_395, %dma_start3A_399] : memref<4x128xi32, #tpu.memory_space<vmem>> -> memref<1x128xi32, #tpu.memory_space<vmem>>
    %dma_start3A_401 = tpu.memref_squeeze %dma_start3A_400 : memref<1x128xi32, #tpu.memory_space<vmem>> -> memref<128xi32, #tpu.memory_space<vmem>>
    %dma_start3A_402 = arith.constant 0 : i32
    %dma_start3A_403 = arith.constant 0 : i32
    %dma_start3A_404 = tpu.memref_slice %arg9[%dma_start3A_402, %dma_start3A_403] : memref<48x128xf32, #tpu.memory_space<vmem_shared>> -> memref<48x128xf32, #tpu.memory_space<vmem_shared>>
    tpu.enqueue_indirect_dma source(%dma_start3A_404 : memref<48x128xf32, #tpu.memory_space<vmem_shared>>) target(%dma_start3A_398 : memref<128x128xf32, #tpu.memory_space<vmem>>) offsets(%dma_start3A_401 : memref<128xi32, #tpu.memory_space<vmem>>) semaphore(%arg11 : memref<!tpu.dma_semaphore, #tpu.memory_space<semaphore_mem>>)
    %get3A_405 = arith.constant 384 : index
    %get3A_406 = tpu.vector_load %arg6[%get3A_405] {strides = array<i32>} : memref<512xf32, #tpu.memory_space<vmem>>, vector<16xf32>,
    %get3A_407 = vector.shape_cast %get3A_406 : vector<16xf32> to vector<16xf32>
    %eq3A_408 = arith.cmpf oeq, %get3A_407, %get3A_407 : vector<16xf32>
    %jit3A_409 = arith.constant 2.000000e+00 : f32
    %broadcast_in_dim3A_410 = vector.broadcast %jit3A_409 : f32 to vector<16xf32>
    %select_n3A_411 = arith.select %eq3A_408, %get3A_407, %broadcast_in_dim3A_410 : vector<16xi1>, vector<16xf32>
    %convert_element_type3A_412 = arith.fptosi %select_n3A_411 : vector<16xf32> to vector<16xi32>
    %add3A_413 = arith.addi %convert_element_type3A_412, %broadcast_in_dim3A : vector<16xi32>
    %swap3A_414 = arith.constant 3 : i32
    %swap3A_415 = arith.index_cast %swap3A_414 : i32 to index
    %swap3A_416 = arith.constant 0 : index
    %swap3A_417 = tpu.vector_load %arg7[%swap3A_415, %swap3A_416] {strides = array<i32>} : memref<4x128xi32, #tpu.memory_space<vmem>>, vector<1x16xi32>,
    %swap3A_418 = vector.shape_cast %swap3A_417 : vector<1x16xi32> to vector<16xi32>
    %swap3A_419 = vector.shape_cast %add3A_413 : vector<16xi32> to vector<1x16xi32>
    tpu.vector_store %arg7[%swap3A_415, %swap3A_416], %swap3A_419 {strides = array<i32>} : memref<4x128xi32, #tpu.memory_space<vmem>>, vector<1x16xi32>,
    %get3A_420 = arith.constant 400 : index
    %get3A_421 = tpu.vector_load %arg6[%get3A_420] {strides = array<i32>} : memref<512xf32, #tpu.memory_space<vmem>>, vector<16xf32>,
    %get3A_422 = vector.shape_cast %get3A_421 : vector<16xf32> to vector<16xf32>
    %eq3A_423 = arith.cmpf oeq, %get3A_422, %get3A_422 : vector<16xf32>
    %jit3A_424 = arith.constant 2.000000e+00 : f32
    %broadcast_in_dim3A_425 = vector.broadcast %jit3A_424 : f32 to vector<16xf32>
    %select_n3A_426 = arith.select %eq3A_423, %get3A_422, %broadcast_in_dim3A_425 : vector<16xi1>, vector<16xf32>
    %convert_element_type3A_427 = arith.fptosi %select_n3A_426 : vector<16xf32> to vector<16xi32>
    %add3A_428 = arith.addi %convert_element_type3A_427, %broadcast_in_dim3A : vector<16xi32>
    %swap3A_429 = arith.constant 3 : i32
    %swap3A_430 = arith.index_cast %swap3A_429 : i32 to index
    %swap3A_431 = arith.constant 16 : index
    %swap3A_432 = tpu.vector_load %arg7[%swap3A_430, %swap3A_431] {strides = array<i32>} : memref<4x128xi32, #tpu.memory_space<vmem>>, vector<1x16xi32>,
    %swap3A_433 = vector.shape_cast %swap3A_432 : vector<1x16xi32> to vector<16xi32>
    %swap3A_434 = vector.shape_cast %add3A_428 : vector<16xi32> to vector<1x16xi32>
    tpu.vector_store %arg7[%swap3A_430, %swap3A_431], %swap3A_434 {strides = array<i32>} : memref<4x128xi32, #tpu.memory_space<vmem>>, vector<1x16xi32>,
    %get3A_435 = arith.constant 416 : index
    %get3A_436 = tpu.vector_load %arg6[%get3A_435] {strides = array<i32>} : memref<512xf32, #tpu.memory_space<vmem>>, vector<16xf32>,
    %get3A_437 = vector.shape_cast %get3A_436 : vector<16xf32> to vector<16xf32>
    %eq3A_438 = arith.cmpf oeq, %get3A_437, %get3A_437 : vector<16xf32>
    %jit3A_439 = arith.constant 2.000000e+00 : f32
    %broadcast_in_dim3A_440 = vector.broadcast %jit3A_439 : f32 to vector<16xf32>
    %select_n3A_441 = arith.select %eq3A_438, %get3A_437, %broadcast_in_dim3A_440 : vector<16xi1>, vector<16xf32>
    %convert_element_type3A_442 = arith.fptosi %select_n3A_441 : vector<16xf32> to vector<16xi32>
    %add3A_443 = arith.addi %convert_element_type3A_442, %broadcast_in_dim3A : vector<16xi32>
    %swap3A_444 = arith.constant 3 : i32
    %swap3A_445 = arith.index_cast %swap3A_444 : i32 to index
    %swap3A_446 = arith.constant 32 : index
    %swap3A_447 = tpu.vector_load %arg7[%swap3A_445, %swap3A_446] {strides = array<i32>} : memref<4x128xi32, #tpu.memory_space<vmem>>, vector<1x16xi32>,
    %swap3A_448 = vector.shape_cast %swap3A_447 : vector<1x16xi32> to vector<16xi32>
    %swap3A_449 = vector.shape_cast %add3A_443 : vector<16xi32> to vector<1x16xi32>
    tpu.vector_store %arg7[%swap3A_445, %swap3A_446], %swap3A_449 {strides = array<i32>} : memref<4x128xi32, #tpu.memory_space<vmem>>, vector<1x16xi32>,
    %get3A_450 = arith.constant 432 : index
    %get3A_451 = tpu.vector_load %arg6[%get3A_450] {strides = array<i32>} : memref<512xf32, #tpu.memory_space<vmem>>, vector<16xf32>,
    %get3A_452 = vector.shape_cast %get3A_451 : vector<16xf32> to vector<16xf32>
    %eq3A_453 = arith.cmpf oeq, %get3A_452, %get3A_452 : vector<16xf32>
    %jit3A_454 = arith.constant 2.000000e+00 : f32
    %broadcast_in_dim3A_455 = vector.broadcast %jit3A_454 : f32 to vector<16xf32>
    %select_n3A_456 = arith.select %eq3A_453, %get3A_452, %broadcast_in_dim3A_455 : vector<16xi1>, vector<16xf32>
    %convert_element_type3A_457 = arith.fptosi %select_n3A_456 : vector<16xf32> to vector<16xi32>
    %add3A_458 = arith.addi %convert_element_type3A_457, %broadcast_in_dim3A : vector<16xi32>
    %swap3A_459 = arith.constant 3 : i32
    %swap3A_460 = arith.index_cast %swap3A_459 : i32 to index
    %swap3A_461 = arith.constant 48 : index
    %swap3A_462 = tpu.vector_load %arg7[%swap3A_460, %swap3A_461] {strides = array<i32>} : memref<4x128xi32, #tpu.memory_space<vmem>>, vector<1x16xi32>,
    %swap3A_463 = vector.shape_cast %swap3A_462 : vector<1x16xi32> to vector<16xi32>
    %swap3A_464 = vector.shape_cast %add3A_458 : vector<16xi32> to vector<1x16xi32>
    tpu.vector_store %arg7[%swap3A_460, %swap3A_461], %swap3A_464 {strides = array<i32>} : memref<4x128xi32, #tpu.memory_space<vmem>>, vector<1x16xi32>,
    %get3A_465 = arith.constant 448 : index
    %get3A_466 = tpu.vector_load %arg6[%get3A_465] {strides = array<i32>} : memref<512xf32, #tpu.memory_space<vmem>>, vector<16xf32>,
    %get3A_467 = vector.shape_cast %get3A_466 : vector<16xf32> to vector<16xf32>
    %eq3A_468 = arith.cmpf oeq, %get3A_467, %get3A_467 : vector<16xf32>
    %jit3A_469 = arith.constant 2.000000e+00 : f32
    %broadcast_in_dim3A_470 = vector.broadcast %jit3A_469 : f32 to vector<16xf32>
    %select_n3A_471 = arith.select %eq3A_468, %get3A_467, %broadcast_in_dim3A_470 : vector<16xi1>, vector<16xf32>
    %convert_element_type3A_472 = arith.fptosi %select_n3A_471 : vector<16xf32> to vector<16xi32>
    %add3A_473 = arith.addi %convert_element_type3A_472, %broadcast_in_dim3A : vector<16xi32>
    %swap3A_474 = arith.constant 3 : i32
    %swap3A_475 = arith.index_cast %swap3A_474 : i32 to index
    %swap3A_476 = arith.constant 64 : index
    %swap3A_477 = tpu.vector_load %arg7[%swap3A_475, %swap3A_476] {strides = array<i32>} : memref<4x128xi32, #tpu.memory_space<vmem>>, vector<1x16xi32>,
    %swap3A_478 = vector.shape_cast %swap3A_477 : vector<1x16xi32> to vector<16xi32>
    %swap3A_479 = vector.shape_cast %add3A_473 : vector<16xi32> to vector<1x16xi32>
    tpu.vector_store %arg7[%swap3A_475, %swap3A_476], %swap3A_479 {strides = array<i32>} : memref<4x128xi32, #tpu.memory_space<vmem>>, vector<1x16xi32>,
    %get3A_480 = arith.constant 464 : index
    %get3A_481 = tpu.vector_load %arg6[%get3A_480] {strides = array<i32>} : memref<512xf32, #tpu.memory_space<vmem>>, vector<16xf32>,
    %get3A_482 = vector.shape_cast %get3A_481 : vector<16xf32> to vector<16xf32>
    %eq3A_483 = arith.cmpf oeq, %get3A_482, %get3A_482 : vector<16xf32>
    %jit3A_484 = arith.constant 2.000000e+00 : f32
    %broadcast_in_dim3A_485 = vector.broadcast %jit3A_484 : f32 to vector<16xf32>
    %select_n3A_486 = arith.select %eq3A_483, %get3A_482, %broadcast_in_dim3A_485 : vector<16xi1>, vector<16xf32>
    %convert_element_type3A_487 = arith.fptosi %select_n3A_486 : vector<16xf32> to vector<16xi32>
    %add3A_488 = arith.addi %convert_element_type3A_487, %broadcast_in_dim3A : vector<16xi32>
    %swap3A_489 = arith.constant 3 : i32
    %swap3A_490 = arith.index_cast %swap3A_489 : i32 to index
    %swap3A_491 = arith.constant 80 : index
    %swap3A_492 = tpu.vector_load %arg7[%swap3A_490, %swap3A_491] {strides = array<i32>} : memref<4x128xi32, #tpu.memory_space<vmem>>, vector<1x16xi32>,
    %swap3A_493 = vector.shape_cast %swap3A_492 : vector<1x16xi32> to vector<16xi32>
    %swap3A_494 = vector.shape_cast %add3A_488 : vector<16xi32> to vector<1x16xi32>
    tpu.vector_store %arg7[%swap3A_490, %swap3A_491], %swap3A_494 {strides = array<i32>} : memref<4x128xi32, #tpu.memory_space<vmem>>, vector<1x16xi32>,
    %get3A_495 = arith.constant 480 : index
    %get3A_496 = tpu.vector_load %arg6[%get3A_495] {strides = array<i32>} : memref<512xf32, #tpu.memory_space<vmem>>, vector<16xf32>,
    %get3A_497 = vector.shape_cast %get3A_496 : vector<16xf32> to vector<16xf32>
    %eq3A_498 = arith.cmpf oeq, %get3A_497, %get3A_497 : vector<16xf32>
    %jit3A_499 = arith.constant 2.000000e+00 : f32
    %broadcast_in_dim3A_500 = vector.broadcast %jit3A_499 : f32 to vector<16xf32>
    %select_n3A_501 = arith.select %eq3A_498, %get3A_497, %broadcast_in_dim3A_500 : vector<16xi1>, vector<16xf32>
    %convert_element_type3A_502 = arith.fptosi %select_n3A_501 : vector<16xf32> to vector<16xi32>
    %add3A_503 = arith.addi %convert_element_type3A_502, %broadcast_in_dim3A : vector<16xi32>
    %swap3A_504 = arith.constant 3 : i32
    %swap3A_505 = arith.index_cast %swap3A_504 : i32 to index
    %swap3A_506 = arith.constant 96 : index
    %swap3A_507 = tpu.vector_load %arg7[%swap3A_505, %swap3A_506] {strides = array<i32>} : memref<4x128xi32, #tpu.memory_space<vmem>>, vector<1x16xi32>,
    %swap3A_508 = vector.shape_cast %swap3A_507 : vector<1x16xi32> to vector<16xi32>
    %swap3A_509 = vector.shape_cast %add3A_503 : vector<16xi32> to vector<1x16xi32>
    tpu.vector_store %arg7[%swap3A_505, %swap3A_506], %swap3A_509 {strides = array<i32>} : memref<4x128xi32, #tpu.memory_space<vmem>>, vector<1x16xi32>,
    %get3A_510 = arith.constant 496 : index
    %get3A_511 = tpu.vector_load %arg6[%get3A_510] {strides = array<i32>} : memref<512xf32, #tpu.memory_space<vmem>>, vector<16xf32>,
    %get3A_512 = vector.shape_cast %get3A_511 : vector<16xf32> to vector<16xf32>
    %eq3A_513 = arith.cmpf oeq, %get3A_512, %get3A_512 : vector<16xf32>
    %jit3A_514 = arith.constant 2.000000e+00 : f32
    %broadcast_in_dim3A_515 = vector.broadcast %jit3A_514 : f32 to vector<16xf32>
    %select_n3A_516 = arith.select %eq3A_513, %get3A_512, %broadcast_in_dim3A_515 : vector<16xi1>, vector<16xf32>
    %convert_element_type3A_517 = arith.fptosi %select_n3A_516 : vector<16xf32> to vector<16xi32>
    %add3A_518 = arith.addi %convert_element_type3A_517, %broadcast_in_dim3A : vector<16xi32>
    %swap3A_519 = arith.constant 3 : i32
    %swap3A_520 = arith.index_cast %swap3A_519 : i32 to index
    %swap3A_521 = arith.constant 112 : index
    %swap3A_522 = tpu.vector_load %arg7[%swap3A_520, %swap3A_521] {strides = array<i32>} : memref<4x128xi32, #tpu.memory_space<vmem>>, vector<1x16xi32>,
    %swap3A_523 = vector.shape_cast %swap3A_522 : vector<1x16xi32> to vector<16xi32>
    %swap3A_524 = vector.shape_cast %add3A_518 : vector<16xi32> to vector<1x16xi32>
    tpu.vector_store %arg7[%swap3A_520, %swap3A_521], %swap3A_524 {strides = array<i32>} : memref<4x128xi32, #tpu.memory_space<vmem>>, vector<1x16xi32>,
    %dma_start3A_525 = arith.constant 3 : i32
    %dma_start3A_526 = arith.constant 384 : i32
    %dma_start3A_527 = arith.constant 0 : i32
    %dma_start3A_528 = tpu.memref_slice %arg8[%dma_start3A_526, %dma_start3A_527] : memref<512x128xf32, #tpu.memory_space<vmem>> -> memref<128x128xf32, #tpu.memory_space<vmem>>
    %dma_start3A_529 = arith.constant 0 : i32
    %dma_start3A_530 = tpu.memref_slice %arg7[%dma_start3A_525, %dma_start3A_529] : memref<4x128xi32, #tpu.memory_space<vmem>> -> memref<1x128xi32, #tpu.memory_space<vmem>>
    %dma_start3A_531 = tpu.memref_squeeze %dma_start3A_530 : memref<1x128xi32, #tpu.memory_space<vmem>> -> memref<128xi32, #tpu.memory_space<vmem>>
    %dma_start3A_532 = arith.constant 0 : i32
    %dma_start3A_533 = arith.constant 0 : i32
    %dma_start3A_534 = tpu.memref_slice %arg9[%dma_start3A_532, %dma_start3A_533] : memref<48x128xf32, #tpu.memory_space<vmem_shared>> -> memref<48x128xf32, #tpu.memory_space<vmem_shared>>
    tpu.enqueue_indirect_dma source(%dma_start3A_534 : memref<48x128xf32, #tpu.memory_space<vmem_shared>>) target(%dma_start3A_528 : memref<128x128xf32, #tpu.memory_space<vmem>>) offsets(%dma_start3A_531 : memref<128xi32, #tpu.memory_space<vmem>>) semaphore(%arg11 : memref<!tpu.dma_semaphore, #tpu.memory_space<semaphore_mem>>)
    %dma_wait3A_535 = arith.constant 0 : i32
    %dma_wait3A_536 = arith.constant 0 : i32
    %dma_wait3A_537 = arith.constant 0 : i32
    %dma_wait3A_538 = tpu.memref_slice %arg8[%dma_wait3A_536, %dma_wait3A_537] : memref<512x128xf32, #tpu.memory_space<vmem>> -> memref<128x128xf32, #tpu.memory_space<vmem>>
    %dma_wait3A_539 = arith.constant 0 : i32
    %dma_wait3A_540 = tpu.memref_slice %arg7[%dma_wait3A_535, %dma_wait3A_539] : memref<4x128xi32, #tpu.memory_space<vmem>> -> memref<1x128xi32, #tpu.memory_space<vmem>>
    %dma_wait3A_541 = tpu.memref_squeeze %dma_wait3A_540 : memref<1x128xi32, #tpu.memory_space<vmem>> -> memref<128xi32, #tpu.memory_space<vmem>>
    %dma_wait3A_542 = arith.constant 0 : i32
    %dma_wait3A_543 = arith.constant 0 : i32
    %dma_wait3A_544 = tpu.memref_slice %arg9[%dma_wait3A_542, %dma_wait3A_543] : memref<48x128xf32, #tpu.memory_space<vmem_shared>> -> memref<48x128xf32, #tpu.memory_space<vmem_shared>>
    tpu.wait_indirect_dma semaphore(%arg11 : memref<!tpu.dma_semaphore, #tpu.memory_space<semaphore_mem>>) src(%dma_wait3A_544 : memref<48x128xf32, #tpu.memory_space<vmem_shared>>) dst(%dma_wait3A_538 : memref<128x128xf32, #tpu.memory_space<vmem>>)
    %add3A_545 = arith.constant 0 : i32
    %add3A_546 = arith.addi %mul3A_2, %add3A_545 : i32
    %dma_start3A_547 = arith.constant 0 : i32
    %dma_start3A_548 = arith.constant 0 : i32
    %dma_start3A_549 = tpu.memref_slice %arg8[%dma_start3A_547, %dma_start3A_548] : memref<512x128xf32, #tpu.memory_space<vmem>> -> memref<128x128xf32, #tpu.memory_space<vmem>>
    %dma_start3A_550 = arith.constant 0 : i32
    %dma_start3A_551 = tpu.memref_slice %arg5[%add3A_546, %dma_start3A_550] : memref<16384x128xf32, #tpu.memory_space<hbm>> -> memref<128x128xf32, #tpu.memory_space<hbm>>
    %dma_start3A_552 = arith.constant 0 : i32
    %dma_start3A_553 = tpu.memref_slice %arg5[%add3A_546, %dma_start3A_552] : memref<16384x128xf32, #tpu.memory_space<hbm>> -> memref<128x128xf32, #tpu.memory_space<hbm>>
    %dma_start3A_554 = arith.constant 0 : i32
    %dma_start3A_555 = arith.constant 0 : i32
    %dma_start3A_556 = tpu.memref_slice %arg8[%dma_start3A_554, %dma_start3A_555] : memref<512x128xf32, #tpu.memory_space<vmem>> -> memref<128x128xf32, #tpu.memory_space<vmem>>
    tpu.enqueue_dma source(%dma_start3A_556 : memref<128x128xf32, #tpu.memory_space<vmem>>) target(%dma_start3A_553 : memref<128x128xf32, #tpu.memory_space<hbm>>) target_semaphore(%arg12 : memref<!tpu.dma_semaphore, #tpu.memory_space<semaphore_mem>>)
    %dma_wait3A_557 = arith.constant 1 : i32
    %dma_wait3A_558 = arith.constant 128 : i32
    %dma_wait3A_559 = arith.constant 0 : i32
    %dma_wait3A_560 = tpu.memref_slice %arg8[%dma_wait3A_558, %dma_wait3A_559] : memref<512x128xf32, #tpu.memory_space<vmem>> -> memref<128x128xf32, #tpu.memory_space<vmem>>
    %dma_wait3A_561 = arith.constant 0 : i32
    %dma_wait3A_562 = tpu.memref_slice %arg7[%dma_wait3A_557, %dma_wait3A_561] : memref<4x128xi32, #tpu.memory_space<vmem>> -> memref<1x128xi32, #tpu.memory_space<vmem>>
    %dma_wait3A_563 = tpu.memref_squeeze %dma_wait3A_562 : memref<1x128xi32, #tpu.memory_space<vmem>> -> memref<128xi32, #tpu.memory_space<vmem>>
    %dma_wait3A_564 = arith.constant 0 : i32
    %dma_wait3A_565 = arith.constant 0 : i32
    %dma_wait3A_566 = tpu.memref_slice %arg9[%dma_wait3A_564, %dma_wait3A_565] : memref<48x128xf32, #tpu.memory_space<vmem_shared>> -> memref<48x128xf32, #tpu.memory_space<vmem_shared>>
    tpu.wait_indirect_dma semaphore(%arg11 : memref<!tpu.dma_semaphore, #tpu.memory_space<semaphore_mem>>) src(%dma_wait3A_566 : memref<48x128xf32, #tpu.memory_space<vmem_shared>>) dst(%dma_wait3A_560 : memref<128x128xf32, #tpu.memory_space<vmem>>)
    %add3A_567 = arith.constant 128 : i32
    %add3A_568 = arith.addi %mul3A_2, %add3A_567 : i32
    %dma_start3A_569 = arith.constant 128 : i32
    %dma_start3A_570 = arith.constant 0 : i32
    %dma_start3A_571 = tpu.memref_slice %arg8[%dma_start3A_569, %dma_start3A_570] : memref<512x128xf32, #tpu.memory_space<vmem>> -> memref<128x128xf32, #tpu.memory_space<vmem>>
    %dma_start3A_572 = arith.constant 0 : i32
    %dma_start3A_573 = tpu.memref_slice %arg5[%add3A_568, %dma_start3A_572] : memref<16384x128xf32, #tpu.memory_space<hbm>> -> memref<128x128xf32, #tpu.memory_space<hbm>>
    %dma_start3A_574 = arith.constant 0 : i32
    %dma_start3A_575 = tpu.memref_slice %arg5[%add3A_568, %dma_start3A_574] : memref<16384x128xf32, #tpu.memory_space<hbm>> -> memref<128x128xf32, #tpu.memory_space<hbm>>
    %dma_start3A_576 = arith.constant 128 : i32
    %dma_start3A_577 = arith.constant 0 : i32
    %dma_start3A_578 = tpu.memref_slice %arg8[%dma_start3A_576, %dma_start3A_577] : memref<512x128xf32, #tpu.memory_space<vmem>> -> memref<128x128xf32, #tpu.memory_space<vmem>>
    tpu.enqueue_dma source(%dma_start3A_578 : memref<128x128xf32, #tpu.memory_space<vmem>>) target(%dma_start3A_575 : memref<128x128xf32, #tpu.memory_space<hbm>>) target_semaphore(%arg12 : memref<!tpu.dma_semaphore, #tpu.memory_space<semaphore_mem>>)
    %dma_wait3A_579 = arith.constant 2 : i32
    %dma_wait3A_580 = arith.constant 256 : i32
    %dma_wait3A_581 = arith.constant 0 : i32
    %dma_wait3A_582 = tpu.memref_slice %arg8[%dma_wait3A_580, %dma_wait3A_581] : memref<512x128xf32, #tpu.memory_space<vmem>> -> memref<128x128xf32, #tpu.memory_space<vmem>>
    %dma_wait3A_583 = arith.constant 0 : i32
    %dma_wait3A_584 = tpu.memref_slice %arg7[%dma_wait3A_579, %dma_wait3A_583] : memref<4x128xi32, #tpu.memory_space<vmem>> -> memref<1x128xi32, #tpu.memory_space<vmem>>
    %dma_wait3A_585 = tpu.memref_squeeze %dma_wait3A_584 : memref<1x128xi32, #tpu.memory_space<vmem>> -> memref<128xi32, #tpu.memory_space<vmem>>
    %dma_wait3A_586 = arith.constant 0 : i32
    %dma_wait3A_587 = arith.constant 0 : i32
    %dma_wait3A_588 = tpu.memref_slice %arg9[%dma_wait3A_586, %dma_wait3A_587] : memref<48x128xf32, #tpu.memory_space<vmem_shared>> -> memref<48x128xf32, #tpu.memory_space<vmem_shared>>
    tpu.wait_indirect_dma semaphore(%arg11 : memref<!tpu.dma_semaphore, #tpu.memory_space<semaphore_mem>>) src(%dma_wait3A_588 : memref<48x128xf32, #tpu.memory_space<vmem_shared>>) dst(%dma_wait3A_582 : memref<128x128xf32, #tpu.memory_space<vmem>>)
    %add3A_589 = arith.constant 256 : i32
    %add3A_590 = arith.addi %mul3A_2, %add3A_589 : i32
    %dma_start3A_591 = arith.constant 256 : i32
    %dma_start3A_592 = arith.constant 0 : i32
    %dma_start3A_593 = tpu.memref_slice %arg8[%dma_start3A_591, %dma_start3A_592] : memref<512x128xf32, #tpu.memory_space<vmem>> -> memref<128x128xf32, #tpu.memory_space<vmem>>
    %dma_start3A_594 = arith.constant 0 : i32
    %dma_start3A_595 = tpu.memref_slice %arg5[%add3A_590, %dma_start3A_594] : memref<16384x128xf32, #tpu.memory_space<hbm>> -> memref<128x128xf32, #tpu.memory_space<hbm>>
    %dma_start3A_596 = arith.constant 0 : i32
    %dma_start3A_597 = tpu.memref_slice %arg5[%add3A_590, %dma_start3A_596] : memref<16384x128xf32, #tpu.memory_space<hbm>> -> memref<128x128xf32, #tpu.memory_space<hbm>>
    %dma_start3A_598 = arith.constant 256 : i32
    %dma_start3A_599 = arith.constant 0 : i32
    %dma_start3A_600 = tpu.memref_slice %arg8[%dma_start3A_598, %dma_start3A_599] : memref<512x128xf32, #tpu.memory_space<vmem>> -> memref<128x128xf32, #tpu.memory_space<vmem>>
    tpu.enqueue_dma source(%dma_start3A_600 : memref<128x128xf32, #tpu.memory_space<vmem>>) target(%dma_start3A_597 : memref<128x128xf32, #tpu.memory_space<hbm>>) target_semaphore(%arg12 : memref<!tpu.dma_semaphore, #tpu.memory_space<semaphore_mem>>)
    %dma_wait3A_601 = arith.constant 3 : i32
    %dma_wait3A_602 = arith.constant 384 : i32
    %dma_wait3A_603 = arith.constant 0 : i32
    %dma_wait3A_604 = tpu.memref_slice %arg8[%dma_wait3A_602, %dma_wait3A_603] : memref<512x128xf32, #tpu.memory_space<vmem>> -> memref<128x128xf32, #tpu.memory_space<vmem>>
    %dma_wait3A_605 = arith.constant 0 : i32
    %dma_wait3A_606 = tpu.memref_slice %arg7[%dma_wait3A_601, %dma_wait3A_605] : memref<4x128xi32, #tpu.memory_space<vmem>> -> memref<1x128xi32, #tpu.memory_space<vmem>>
    %dma_wait3A_607 = tpu.memref_squeeze %dma_wait3A_606 : memref<1x128xi32, #tpu.memory_space<vmem>> -> memref<128xi32, #tpu.memory_space<vmem>>
    %dma_wait3A_608 = arith.constant 0 : i32
    %dma_wait3A_609 = arith.constant 0 : i32
    %dma_wait3A_610 = tpu.memref_slice %arg9[%dma_wait3A_608, %dma_wait3A_609] : memref<48x128xf32, #tpu.memory_space<vmem_shared>> -> memref<48x128xf32, #tpu.memory_space<vmem_shared>>
    tpu.wait_indirect_dma semaphore(%arg11 : memref<!tpu.dma_semaphore, #tpu.memory_space<semaphore_mem>>) src(%dma_wait3A_610 : memref<48x128xf32, #tpu.memory_space<vmem_shared>>) dst(%dma_wait3A_604 : memref<128x128xf32, #tpu.memory_space<vmem>>)
    %add3A_611 = arith.constant 384 : i32
    %add3A_612 = arith.addi %mul3A_2, %add3A_611 : i32
    %dma_start3A_613 = arith.constant 384 : i32
    %dma_start3A_614 = arith.constant 0 : i32
    %dma_start3A_615 = tpu.memref_slice %arg8[%dma_start3A_613, %dma_start3A_614] : memref<512x128xf32, #tpu.memory_space<vmem>> -> memref<128x128xf32, #tpu.memory_space<vmem>>
    %dma_start3A_616 = arith.constant 0 : i32
    %dma_start3A_617 = tpu.memref_slice %arg5[%add3A_612, %dma_start3A_616] : memref<16384x128xf32, #tpu.memory_space<hbm>> -> memref<128x128xf32, #tpu.memory_space<hbm>>
    %dma_start3A_618 = arith.constant 0 : i32
    %dma_start3A_619 = tpu.memref_slice %arg5[%add3A_612, %dma_start3A_618] : memref<16384x128xf32, #tpu.memory_space<hbm>> -> memref<128x128xf32, #tpu.memory_space<hbm>>
    %dma_start3A_620 = arith.constant 384 : i32
    %dma_start3A_621 = arith.constant 0 : i32
    %dma_start3A_622 = tpu.memref_slice %arg8[%dma_start3A_620, %dma_start3A_621] : memref<512x128xf32, #tpu.memory_space<vmem>> -> memref<128x128xf32, #tpu.memory_space<vmem>>
    tpu.enqueue_dma source(%dma_start3A_622 : memref<128x128xf32, #tpu.memory_space<vmem>>) target(%dma_start3A_619 : memref<128x128xf32, #tpu.memory_space<hbm>>) target_semaphore(%arg12 : memref<!tpu.dma_semaphore, #tpu.memory_space<semaphore_mem>>)
    %dma_wait3A_623 = arith.constant 0 : i32
    %dma_wait3A_624 = arith.constant 0 : i32
    %dma_wait3A_625 = tpu.memref_slice %arg8[%dma_wait3A_623, %dma_wait3A_624] : memref<512x128xf32, #tpu.memory_space<vmem>> -> memref<128x128xf32, #tpu.memory_space<vmem>>
    %dma_wait3A_626 = arith.constant 0 : i32
    %dma_wait3A_627 = tpu.memref_slice %arg5[%add3A_546, %dma_wait3A_626] : memref<16384x128xf32, #tpu.memory_space<hbm>> -> memref<128x128xf32, #tpu.memory_space<hbm>>
    %dma_wait3A_628 = arith.constant 0 : i32
    %dma_wait3A_629 = tpu.memref_slice %arg5[%add3A_546, %dma_wait3A_628] : memref<16384x128xf32, #tpu.memory_space<hbm>> -> memref<128x128xf32, #tpu.memory_space<hbm>>
    %dma_wait3A_630 = arith.constant 0 : i32
    %dma_wait3A_631 = arith.constant 0 : i32
    %dma_wait3A_632 = tpu.memref_slice %arg8[%dma_wait3A_630, %dma_wait3A_631] : memref<512x128xf32, #tpu.memory_space<vmem>> -> memref<128x128xf32, #tpu.memory_space<vmem>>
    tpu.wait_dma2 semaphore(%arg12 : memref<!tpu.dma_semaphore, #tpu.memory_space<semaphore_mem>>) src(%dma_wait3A_632 : memref<128x128xf32, #tpu.memory_space<vmem>>) dst(%dma_wait3A_629 : memref<128x128xf32, #tpu.memory_space<hbm>>)
    %dma_wait3A_633 = arith.constant 128 : i32
    %dma_wait3A_634 = arith.constant 0 : i32
    %dma_wait3A_635 = tpu.memref_slice %arg8[%dma_wait3A_633, %dma_wait3A_634] : memref<512x128xf32, #tpu.memory_space<vmem>> -> memref<128x128xf32, #tpu.memory_space<vmem>>
    %dma_wait3A_636 = arith.constant 0 : i32
    %dma_wait3A_637 = tpu.memref_slice %arg5[%add3A_568, %dma_wait3A_636] : memref<16384x128xf32, #tpu.memory_space<hbm>> -> memref<128x128xf32, #tpu.memory_space<hbm>>
    %dma_wait3A_638 = arith.constant 0 : i32
    %dma_wait3A_639 = tpu.memref_slice %arg5[%add3A_568, %dma_wait3A_638] : memref<16384x128xf32, #tpu.memory_space<hbm>> -> memref<128x128xf32, #tpu.memory_space<hbm>>
    %dma_wait3A_640 = arith.constant 128 : i32
    %dma_wait3A_641 = arith.constant 0 : i32
    %dma_wait3A_642 = tpu.memref_slice %arg8[%dma_wait3A_640, %dma_wait3A_641] : memref<512x128xf32, #tpu.memory_space<vmem>> -> memref<128x128xf32, #tpu.memory_space<vmem>>
    tpu.wait_dma2 semaphore(%arg12 : memref<!tpu.dma_semaphore, #tpu.memory_space<semaphore_mem>>) src(%dma_wait3A_642 : memref<128x128xf32, #tpu.memory_space<vmem>>) dst(%dma_wait3A_639 : memref<128x128xf32, #tpu.memory_space<hbm>>)
    %dma_wait3A_643 = arith.constant 256 : i32
    %dma_wait3A_644 = arith.constant 0 : i32
    %dma_wait3A_645 = tpu.memref_slice %arg8[%dma_wait3A_643, %dma_wait3A_644] : memref<512x128xf32, #tpu.memory_space<vmem>> -> memref<128x128xf32, #tpu.memory_space<vmem>>
    %dma_wait3A_646 = arith.constant 0 : i32
    %dma_wait3A_647 = tpu.memref_slice %arg5[%add3A_590, %dma_wait3A_646] : memref<16384x128xf32, #tpu.memory_space<hbm>> -> memref<128x128xf32, #tpu.memory_space<hbm>>
    %dma_wait3A_648 = arith.constant 0 : i32
    %dma_wait3A_649 = tpu.memref_slice %arg5[%add3A_590, %dma_wait3A_648] : memref<16384x128xf32, #tpu.memory_space<hbm>> -> memref<128x128xf32, #tpu.memory_space<hbm>>
    %dma_wait3A_650 = arith.constant 256 : i32
    %dma_wait3A_651 = arith.constant 0 : i32
    %dma_wait3A_652 = tpu.memref_slice %arg8[%dma_wait3A_650, %dma_wait3A_651] : memref<512x128xf32, #tpu.memory_space<vmem>> -> memref<128x128xf32, #tpu.memory_space<vmem>>
    tpu.wait_dma2 semaphore(%arg12 : memref<!tpu.dma_semaphore, #tpu.memory_space<semaphore_mem>>) src(%dma_wait3A_652 : memref<128x128xf32, #tpu.memory_space<vmem>>) dst(%dma_wait3A_649 : memref<128x128xf32, #tpu.memory_space<hbm>>)
    %dma_wait3A_653 = arith.constant 384 : i32
    %dma_wait3A_654 = arith.constant 0 : i32
    %dma_wait3A_655 = tpu.memref_slice %arg8[%dma_wait3A_653, %dma_wait3A_654] : memref<512x128xf32, #tpu.memory_space<vmem>> -> memref<128x128xf32, #tpu.memory_space<vmem>>
    %dma_wait3A_656 = arith.constant 0 : i32
    %dma_wait3A_657 = tpu.memref_slice %arg5[%add3A_612, %dma_wait3A_656] : memref<16384x128xf32, #tpu.memory_space<hbm>> -> memref<128x128xf32, #tpu.memory_space<hbm>>
    %dma_wait3A_658 = arith.constant 0 : i32
    %dma_wait3A_659 = tpu.memref_slice %arg5[%add3A_612, %dma_wait3A_658] : memref<16384x128xf32, #tpu.memory_space<hbm>> -> memref<128x128xf32, #tpu.memory_space<hbm>>
    %dma_wait3A_660 = arith.constant 384 : i32
    %dma_wait3A_661 = arith.constant 0 : i32
    %dma_wait3A_662 = tpu.memref_slice %arg8[%dma_wait3A_660, %dma_wait3A_661] : memref<512x128xf32, #tpu.memory_space<vmem>> -> memref<128x128xf32, #tpu.memory_space<vmem>>
    tpu.wait_dma2 semaphore(%arg12 : memref<!tpu.dma_semaphore, #tpu.memory_space<semaphore_mem>>) src(%dma_wait3A_662 : memref<128x128xf32, #tpu.memory_space<vmem>>) dst(%dma_wait3A_659 : memref<128x128xf32, #tpu.memory_space<hbm>>)
    return
  }
}

</mosaic_0001>

<sc_bundles>
// kernel: _label_embed_sc.3.cloned.1.call-start
scs
__scs_entry_jumppad:
0x0: {  	(pc) =	sbr.rel $0x88, $3  }
0x1: {  	(tag) =	ssettag $0x0;
	lr =	simm.s32 $0x1  }
0x2: {  	[smem:$0x3F9E] =	sst lr;
	_ =	strace $0xD0000000  }
0x3: {  	_ = 	snop  }
0x4: {  	_ = 	snop  }
0x5: {  	_ = 	snop  }
0x6: {  	_ = 	snop  }
0x7: {  	_ = 	snop  }
__scs_overlays_trampoline_lowered:
0x8: {  	[smem:$0x3FAD] =	sst s0  }
0x9: {  	[smem:$0x3FAE] =	sst s1  }
0xa: {  	[smem:$0x3FAF] =	sst s2  }
0xb: {  	[smem:$0x3FB0] =	sst s3  }
0xc: {  	[smem:$0x3FB1] =	sst s4  }
0xd: {  	[smem:$0x3FB2] =	sst s5  }
0xe: {  	[smem:$0x3FB3] =	sst s6  }
0xf: {  	[smem:$0x3FB4] =	sst s7  }
0x10: {  	[smem:$0x3FB5] =	sst s8  }
0x11: {  	[smem:$0x3FB6] =	sst s9;
	s0 =	simm.s32 @!p0 $0x0  }
0x12: {  	s1 =	sld [smem:$0x3F9C];
	s0 =	simm.s32 @p0 $0x1  }
0x13: {  	[smem:$0x3FB7] =	sst s0;
	s0 =	simm.s32 @!p1 $0x0  }
0x14: {  	s2 =	sld [smem:$0x3F9B];
	s0 =	simm.s32 @p1 $0x1  }
0x15: {  	[smem:$0x3FB8] =	sst s0;
	s0 =	simm.s32 @!p2 $0x0  }
0x16: {  	s3 =	sld [smem:$0x3FDB];
	s0 =	simm.s32 @p2 $0x1  }
0x17: {  	s4 =	simm.s32 $0x1BF5;
	[smem:$0x3FBA] =	sst s0  }
0x18: {  	s0 =	sld [smem:$0x3F9D];
	_ =	swait.ge [sflag:s4], $0x0  }
0x19: {  	s7 =	sld [smem:$0x3F9E]  }
0x1a: {  	s8 =	sadd.s32 $0xFFFFE003, lr  }
0x1b: {  	s9 =	sadd.s32 $0xFFFFFEF7, lr;
	s5 =	simm.s32 $0xFFFFFFFF;
	p2 =	slt.u32 s8, $0xFFFFF086  }
0x1c: {  	p1 =	slt.u32 s9, $0xF7A;
	s5 =	simm.s32 @!p2 $0x0  }
0x1d: {  	s5 =	simm.s32 @p1 $0x1;
	p0 =	seq.s32 s7, s2  }
0x1e: {  	s7 =	smul.u32 @!p0 $0xF7A, s2;
	p2 =	seq.s32 @!p0 s5, $0x0  }
0x1f: {  	s9 =	smul.u32 $0xF7A, s1;
	s8 =	simm.s32 @!p0 $0x1BF5;
	p2 =	por !p2, p0  }
0x20: {  	[sflag:s8] =	ssyncset.s32 @!p0 $0xFFFFF086;
	s6 =	sadd.s32 @!p0 s3, s7;
	s7 =	simm.s32 @!p0 $0x108  }
0x21: {  	s3 =	sadd.s32 s3, s9;
	s6 =	sadd.s32 @!p0 $0x88, s6;
	s7 =	simm.s32 @p2 $0x1082  }
0x22: {  	[simem:s7], [sflag:s8] =	dma.local @!p0 [hbm:s6], $0xF7A  }
0x23: {  	s9 =	sor.u32 $0xD0000000, s2;
	s6 =	simm.s32 $0x108;
	_ =	swait.ge @!p0 [sflag:s8], $0x0  }
0x24: {  	s3 =	sadd.s32 $0x88, s3;
	s6 =	simm.s32 @!p1 $0x1082;
	[sflag:s4] =	ssyncset.s32 $0xFFFFF086  }
0x25: {  	[simem:s6], [sflag:s4] =	dma.local [hbm:s3], $0xF7A  }
0x26: {  	[smem:$0x3F9E] =	sst s1;
	(tag) =	ssettag s2;
	_ =	strace s9  }
0x27: {  	s1 =	sld [smem:$0x3FAE]  }
0x28: {  	s2 =	sld [smem:$0x3FAF]  }
0x29: {  	s4 =	sld [smem:$0x3FB1]  }
0x2a: {  	p0 =	seq.s32 s5, $0x0;
	s5 =	sld [smem:$0x3FB2]  }
0x2b: {  	s6 =	sld [smem:$0x3FB3]  }
0x2c: {  	s7 =	sld [smem:$0x3FB4]  }
0x2d: {  	s3 =	simm.s32 $0x108;
	s8 =	sld [smem:$0x3FB5]  }
0x2e: {  	s3 =	simm.s32 @!p0 $0x1082;
	s9 =	sld [smem:$0x3FB6]  }
0x2f: {  	lr =	sadd.s32 s0, s3;
	s0 =	sld [smem:$0x3FAD]  }
0x30: {  	s3 =	sld [smem:$0x3FB0]  }
0x31: {  	[smem:$0x3FB9] =	sst s10  }
0x32: {  	s10 =	sld [smem:$0x3FB7];
	_ =	sdelay $0x3  }
0x33: {  	p0 =	seq.s32 s10, $0x1;
	s10 =	sld [smem:$0x3FB9];
	_ =	sdelay $0x3  }
0x34: {  	[smem:$0x3FB9] =	sst s10  }
0x35: {  	s10 =	sld [smem:$0x3FB8];
	_ =	sdelay $0x3  }
0x36: {  	p1 =	seq.s32 s10, $0x1;
	s10 =	sld [smem:$0x3FB9];
	_ =	sdelay $0x3  }
0x37: {  	[smem:$0x3FB9] =	sst s10  }
0x38: {  	s10 =	sld [smem:$0x3FBA]  }
0x39: {  	_ = 	snop;
	(pc) =	sbr.ind lr, $3  }
0x3a: {  	_ = 	snop  }
0x3b: {  	_ = 	snop  }
0x3c: {  	p2 =	seq.s32 s10, $0x1;
	s10 =	sld [smem:$0x3FB9]  }
0x3d: {  	_ =	shalt  }
0x3e: {  	_ =	shalt  }
0x3f: {  	_ =	shalt  }
0x40: {  	_ =	shalt  }
0x41: {  	_ =	shalt  }
0x42: {  	_ =	shalt  }
0x43: {  	_ =	shalt  }
0x44: {  	_ =	shalt  }
0x45: {  	_ =	shalt  }
0x46: {  	_ =	shalt  }
0x47: {  	_ =	shalt  }
0x48: {  	_ =	shalt  }
0x49: {  	_ =	shalt  }
0x4a: {  	_ =	shalt  }
0x4b: {  	_ =	shalt  }
0x4c: {  	_ =	shalt  }
0x4d: {  	_ =	shalt  }
0x4e: {  	_ =	shalt  }
0x4f: {  	_ =	shalt  }
0x50: {  	_ =	shalt  }
0x51: {  	_ =	shalt  }
0x52: {  	_ =	shalt  }
0x53: {  	_ =	shalt  }
0x54: {  	_ =	shalt  }
0x55: {  	_ =	shalt  }
0x56: {  	_ =	shalt  }
0x57: {  	_ =	shalt  }
0x58: {  	_ =	shalt  }
0x59: {  	_ =	shalt  }
0x5a: {  	_ =	shalt  }
0x5b: {  	_ =	shalt  }
0x5c: {  	_ =	shalt  }
0x5d: {  	_ =	shalt  }
0x5e: {  	_ =	shalt  }
0x5f: {  	_ =	shalt  }
0x60: {  	_ =	shalt  }
0x61: {  	_ =	shalt  }
0x62: {  	_ =	shalt  }
0x63: {  	_ =	shalt  }
0x64: {  	_ =	shalt  }
0x65: {  	_ =	shalt  }
0x66: {  	_ =	shalt  }
0x67: {  	_ =	shalt  }
0x68: {  	_ =	shalt  }
0x69: {  	_ =	shalt  }
0x6a: {  	_ =	shalt  }
0x6b: {  	_ =	shalt  }
0x6c: {  	_ =	shalt  }
0x6d: {  	_ =	shalt  }
0x6e: {  	_ =	shalt  }
0x6f: {  	_ =	shalt  }
0x70: {  	_ =	shalt  }
0x71: {  	_ =	shalt  }
0x72: {  	_ =	shalt  }
0x73: {  	_ =	shalt  }
0x74: {  	_ =	shalt  }
0x75: {  	_ =	shalt  }
0x76: {  	_ =	shalt  }
0x77: {  	_ =	shalt  }
0x78: {  	_ =	shalt  }
0x79: {  	_ =	shalt  }
0x7a: {  	_ =	shalt  }
0x7b: {  	_ =	shalt  }
0x7c: {  	_ =	shalt  }
0x7d: {  	_ =	shalt  }
0x7e: {  	_ =	shalt  }
0x7f: {  	_ =	shalt  }
0x80: {  	_ =	shalt  }
0x81: {  	_ =	shalt  }
0x82: {  	_ =	shalt  }
0x83: {  	_ =	shalt  }
0x84: {  	_ =	shalt  }
0x85: {  	_ =	shalt  }
0x86: {  	_ =	shalt  }
0x87: {  	_ =	shalt  }
.Lfunc_end0:
.L_simem_size_0:
called_computation_lowered:
.L_overlay_start_0:
0x88: {  	s2 =	sld [smem:$0x3FD9]  }
0x89: {  	s3 =	sld [smem:$0x3FFE];
	_ =	sdelay $0x1  }
0x8a: {  	s1 =	srdreg.scid  }
0x8b: {  	s0 =	sand.u32 $0x1, s1  }
0x8c: {  	s18 =	sshll.u32 s0, $0xA;
	s2 =	sadd.s32 s3, s2  }
0x8d: {  	s2 =	sadd.s32 s2, s18  }
0x8e: {  	[smem:$0x3FC5] =	sst s2  }
0x8f: {  	_ = 	snop  }
0x90: {  	s2 =	sld [smem:$0x3FC9]  }
0x91: {  	s19 =	sld [smem:$0x3FC8]  }
0x92: {  	s4 =	sld [smem:$0x3FC7]  }
0x93: {  	s5 =	sld [smem:$0x3FD0];
	(tm) =	ssettm $0x1  }
0x94: {  	s6 =	sld [smem:$0x3FFB];
	_ =	sdelay $0x3  }
0x95: {  	_ =	strace s6  }
0x96: {  	s6 =	sld [smem:$0x3FFC];
	_ =	sdelay $0x3  }
0x97: {  	_ =	strace s6  }
0x98: {  	s6 =	sld [smem:$0x3FFD];
	_ =	sdelay $0x3  }
0x99: {  	_ =	strace s6  }
0x9a: {  	_ =	strace $0x8FFFFFFF  }
0x9b: {  	s20 =	sld [smem:$0x3FDB];
	_ =	sdelay $0x1  }
0x9c: {  	s7 =	simm.s32 $_scs_section_size  }
0x9d: {  	s8 =	simm.s32 $_size__tile_overlayer_lowered;
	s9 =	simm.s32 $_tile_overlayer_lowered  }
0x9e: {  	s23 =	simm.s32 $0x1BFF;
	s22 =	sshll.u32 s9, $0x1;
	s6 =	sadd.s32 s7, s20  }
0x9f: {  	s10 =	simm.s32 $0x0;
	s21 =	sshll.u32 s8, $0x1;
	s8 =	sadd.s32 s22, s6  }
0xa0: {  	[timem:s10], [sflag:s23] =	dma.local [hbm:s8], s21  }
0xa1: {  	_ =	swait.ge [sflag:s23], s21  }
0xa2: {  	s7 =	ssub.s32 $0x0, s21;
	[sflag:s23] =	ssyncset.done $0x0  }
0xa3: {  	[sflag:s23] =	ssyncadd.s32 s7;
	_ =	sdelay $0x1  }
0xa4: {  	s24 =	simm.s32 $0x1B8B  }
0xa5: {  	_ =	swait.ge [sflag:s24], $0x1  }
0xa6: {  	[sflag:s24] =	ssyncset.done $0x0  }
0xa7: {  	s25 =	simm.s32 $0x1B8E;
	[sflag:s24] =	ssyncadd.s32 $0xFFFFFFFF  }
0xa8: {  	s26 =	simm.s32 $execute0_lowered;
	[smem:$0x3FD2] =	sst s25  }
0xa9: {  	s7 =	sshll.u32 s26, $0x1;
	_ =	strace $0x80000046;
	[dreg:$0x1] =	wrdreg $0xFFFFFFFF  }
0xaa: {  	s28 =	simm.s32 $_size_execute0_lowered;
	s6 =	sadd.s32 s6, s7;
	[dreg:$0x0] =	wrdreg $0x0  }
0xab: {  	s7 =	sshll.u32 s28, $0x1;
	[dreg:$0x2] =	wrdreg s6  }
0xac: {  	[dreg:$0x3] =	wrdreg s7  }
0xad: {  	[dreg:$0x4] =	wrdreg $0xC0  }
0xae: {  	_ =	task [dreg:s10], $0x5FFFF  }
0xaf: {  	[dreg:$0x1] =	wrdreg $0xFFFFFFFF  }
0xb0: {  	[dreg:$0x0] =	wrdreg $0x60  }
0xb1: {  	[dreg:$0x2] =	wrdreg s2  }
0xb2: {  	[dreg:$0x3] =	wrdreg s19  }
0xb3: {  	[dreg:$0x4] =	wrdreg s4  }
0xb4: {  	[dreg:$0x5] =	wrdreg s5  }
0xb5: {  	[dreg:$0x6] =	wrdreg $0x104000  }
0xb6: {  	[dreg:$0x7] =	wrdreg $0x9  }
0xb7: {  	_ =	task.clear_ibuf [dreg:s10], $0x8FFFF;
	_ =	strace $0x90000046  }
0xb8: {  	s29 =	simm.s32 $0x9;
	_ =	strace $0x80000048  }
0xb9: {  	_ =	swait.ge [sflag:s29], $0x1  }
0xba: {  	[sflag:s29] =	ssyncadd.s32 $0xFFFFFFFF  }
0xbb: {  	_ =	strace $0x90000048  }
0xbc: {  	_ =	sfence  }
0xbd: {  	s30 =	sld [smem:$0x0];
	_ =	sdelay $0x2  }
0xbe: {  	s31 =	sshll.u32 s1, $0xD;
	s1 =	sshrl.u32 s1, $0x2  }
0xbf: {  	s3 =	sand.u32 $0x4000, s31;
	s1 =	sadd.s32 s1, s30  }
0xc0: {  	s0 =	sor.u32 s3, s0;
	s1 =	sshll.u32 s1, $0x11  }
0xc1: {  	s0 =	sor.u32 s1, s0  }
0xc2: {  	s0 =	sadd.s32 $0x8F2B, s0  }
0xc3: {  	[sflag:s0] =	ssyncadd.remote.s32 $0x1  }
0xc4: {  	_ =	sfence.sel $0xFFFF  }
0xc5: {  	[dreg:$0x0] =	wrdreg $0xFFFFFFFF;
	(pc) =	sbr.abs _section_cstart, $3  }
0xc6: {  	[dreg:$0x1] =	wrdreg $0xFFFFFFFF  }
0xc7: {  	_ =	task.clear_ibuf [dreg:s10], $0x2FFFF;
	_ =	strace $0x9FFFFFFF  }
0xc8: {  	(tm) =	ssettm $0x7FFFFFFF  }
0xc9: {  	_ =	shalt  }
tec
execute0_lowered:
.L_overlay_start_1:
0x0: {  	(tag) =	ssettag $0x1  }
0x1: {  	s6 =	rddreg [dreg:$0x0]  }
0x2: {  	s1 =	rddreg [dreg:$0x1]  }
0x3: {  	s2 =	rddreg [dreg:$0x2]  }
0x4: {  	s8 =	rddreg [dreg:$0x3]  }
0x5: {  	s3 =	rddreg [dreg:$0x4]  }
0x6: {  	s0 =	rddreg [dreg:$0x5];
	s5 =	simm.s32 $0x0;
	s7 =	srdreg.scid  }
0x7: {  	s4 =	stileid.u32;
	s15 =	simm.s32 $0x2;
	s16 =	simm.s32 $0x1  }
0x8: {  	s17 =	simm.s32 $0x80;
	s18 =	simm.s32 $0x200;
	s19 =	simm.s32 $0x400  }
0x9: {  	s20 =	simm.s32 $0x280;
	s21 =	simm.s32 $0x4400;
	s22 =	simm.s32 $0x300  }
0xa: {  	s23 =	simm.s32 $0x8400;
	s25 =	simm.s32 $0xC400;
	[smem:$0x7FF] =	sst s5  }
0xb: {  	s7 =	sand.u32 $0x1, s7;
	s10 =	sshll.u32 s4, $0xA;
	s26 =	smul.u32 $0x600, s4  }
0xc: {  	s24 =	smul.u32 $0x3, s4;
	s30 =	sshll.u32 s4, $0x6;
	s9 =	ssub.s32 $0x2, s7  }
0xd: {  	s7 =	sshll.u32 s7, $0x9;
	_ =	strace $0x80000047;
	s11 =	sshrl.u32 s9, $0x1  }
0xe: {  	s7 =	sor.u32 s7, s10;
	s29 =	sshrl.u32 s26, $0x2;
	v0 =	vmov s24;
	s24 =	simm.s32 $0x380  }
0xf: {  	s26 =	simm.s32 $0x3;
	s12 =	ssub.s32 s9, s11;
	s28 =	sshrl.u32 s7, $0x3  }
0x10: {  	s13 =	sadd.s32 s29, s3;
	s31 =	sshll.u32 s7, $0x4;
	s7 =	sor.u32 $0x1C02, s30  }
0x11: {  	s6 =	sadd.s32 s6, s28;
	s14 =	sadd.s32 $0x100, s13;
	s8 =	sadd.s32 s8, s31  }
0x12: {  	s12 =	smax.u32 s12, $0x1;
	s13 =	sshrl.u32 s13, $0x3;
	s9 =	sadd.s32 $0x800, s8  }
0x13: {  	vm0 =	vmmov $0xffff;
	s10 =	sadd.s32 $0x1000, s8;
	s11 =	sadd.s32 $0x1800, s8;
	s14 =	sshrl.u32 s14, $0x3  }
.LBB2_1:
0x14: {  	[tilespmem:s5], [sflag:$0x1] =	stream.linear.gather [hbm4b:s6+s5], $0x200, $0x38;
	[tilespmem:$0x10580] =	vst v63  }
0x15: {  	[spmem:s13], [sflag:s7] =	dma.local [hbm:s1], $0x20  }
0x16: {  	[spmem:s14], [sflag:s7] =	dma.local [hbm:s2], $0x10  }
0x17: {  	_ =	swait.ge [sflag:s15], $0x20  }
0x18: {  	[sflag:s15] =	ssyncset.done $0x0  }
0x19: {  	[sflag:s15] =	ssyncadd.s32 $0xFFFFFFE0  }
0x1a: {  	_ =	swait.ge [sflag:s15], $0x10  }
0x1b: {  	[sflag:s15] =	ssyncset.done $0x0  }
0x1c: {  	[sflag:s15] =	ssyncadd.s32 $0xFFFFFFF0  }
0x1d: {  	_ =	swait.ge [sflag:s16], $0x200  }
0x1e: {  	[sflag:s16] =	ssyncset.done $0x0  }
0x1f: {  	[sflag:s16] =	ssyncadd.s32 $0xFFFFFE00  }
0x20: {  	v1 =	vld [tilespmem:$0x0];
	_ =	sdelay $0x2  }
0x21: {  	v2 =	vld [tilespmem:$0x10]  }
0x22: {  	v3 =	vld [tilespmem:$0x20]  }
0x23: {  	v4 =	vld [tilespmem:$0x30];
	vm1 =	veq.f32 v1, v1  }
0x24: {  	vm1 =	vmand vm1, vm0  }
0x25: {  	v7 =	vld [tilespmem:$0x60];
	v1 =	vnsel vm1, $0x40000000, v1  }
0x26: {  	v5 =	vld [tilespmem:$0x40];
	vm1 =	veq.f32 v2, v2;
	v1 =	vtrunc.f32 v1  }
0x27: {  	vm2 =	veq.f32 v3, v3;
	vm1 =	vmand vm1, vm0;
	v1 =	vcvt.f32.s32 v1  }
0x28: {  	v2 =	vnsel vm1, $0x40000000, v2;
	vm1 =	vmand vm2, vm0;
	vm2 =	veq.f32 v4, v4  }
0x29: {  	v6 =	vld [tilespmem:$0x50];
	v2 =	vtrunc.f32 v2;
	v3 =	vnsel vm1, $0x40000000, v3;
	vm1 =	vmand vm2, vm0  }
0x2a: {  	vm2 =	veq.f32 v7, v7;
	v2 =	vcvt.f32.s32 v2;
	v3 =	vtrunc.f32 v3  }
0x2b: {  	v8 =	vld [tilespmem:$0x70];
	v4 =	vnsel vm1, $0x40000000, v4;
	vm1 =	veq.f32 v5, v5;
	v1 =	vadd.s32 v1, v0  }
0x2c: {  	v3 =	vcvt.f32.s32 v3;
	v4 =	vtrunc.f32 v4;
	vm1 =	vmand vm1, vm0  }
0x2d: {  	v4 =	vcvt.f32.s32 v4;
	v2 =	vadd.s32 v2, v0;
	v5 =	vnsel vm1, $0x40000000, v5  }
0x2e: {  	vm1 =	veq.f32 v6, v6;
	v3 =	vadd.s32 v3, v0;
	v5 =	vtrunc.f32 v5  }
0x2f: {  	vm1 =	vmand vm1, vm0;
	v4 =	vadd.s32 v4, v0;
	v5 =	vcvt.f32.s32 v5  }
0x30: {  	[tilespmem:$0x200] =	vst v1;
	v1 =	vnsel vm1, $0x40000000, v6;
	vm1 =	vmand vm2, vm0;
	vm2 =	veq.f32 v8, v8  }
0x31: {  	[tilespmem:$0x210] =	vst v2;
	v1 =	vtrunc.f32 v1;
	v2 =	vnsel vm1, $0x40000000, v7;
	vm1 =	vmand vm2, vm0  }
0x32: {  	[tilespmem:$0x220] =	vst v3;
	v1 =	vcvt.f32.s32 v1;
	v2 =	vtrunc.f32 v2;
	v3 =	vnsel vm1, $0x40000000, v8  }
0x33: {  	[tilespmem:$0x230] =	vst v4;
	v42 =	vadd.s32 v5, v0;
	v2 =	vcvt.f32.s32 v2;
	v3 =	vtrunc.f32 v3  }
0x34: {  	[tilespmem:$0x240] =	vst v42;
	v1 =	vadd.s32 v1, v0;
	v3 =	vcvt.f32.s32 v3  }
0x35: {  	[tilespmem:$0x250] =	vst v1;
	v1 =	vadd.s32 v2, v0  }
0x36: {  	[tilespmem:$0x260] =	vst v1;
	v1 =	vadd.s32 v3, v0  }
0x37: {  	[tilespmem:$0x270] =	vst v1  }
0x38: {  	[tilespmem:s19], [sflag:$0x2] =	stream.indirect.gather [spmem:s3], $0x80, s18, s17, $0xb8;
	[tilespmem:$0x10580] =	vst v63  }
0x39: {  	v1 =	vld [tilespmem:$0x80];
	_ =	sdelay $0x2  }
0x3a: {  	v2 =	vld [tilespmem:$0x90]  }
0x3b: {  	v3 =	vld [tilespmem:$0xA0]  }
0x3c: {  	v43 =	vld [tilespmem:$0xB0];
	vm1 =	veq.f32 v1, v1  }
0x3d: {  	vm1 =	vmand vm1, vm0  }
0x3e: {  	v46 =	vld [tilespmem:$0xE0];
	v1 =	vnsel vm1, $0x40000000, v1  }
0x3f: {  	v44 =	vld [tilespmem:$0xC0];
	vm1 =	veq.f32 v2, v2;
	v1 =	vtrunc.f32 v1  }
0x40: {  	vm2 =	veq.f32 v3, v3;
	vm1 =	vmand vm1, vm0;
	v1 =	vcvt.f32.s32 v1  }
0x41: {  	v2 =	vnsel vm1, $0x40000000, v2;
	vm1 =	vmand vm2, vm0;
	vm2 =	veq.f32 v43, v43  }
0x42: {  	v45 =	vld [tilespmem:$0xD0];
	v2 =	vtrunc.f32 v2;
	v3 =	vnsel vm1, $0x40000000, v3;
	vm1 =	vmand vm2, vm0  }
0x43: {  	vm2 =	veq.f32 v46, v46;
	v2 =	vcvt.f32.s32 v2;
	v3 =	vtrunc.f32 v3  }
0x44: {  	v47 =	vld [tilespmem:$0xF0];
	v4 =	vnsel vm1, $0x40000000, v43;
	vm1 =	veq.f32 v44, v44;
	v1 =	vadd.s32 v1, v0  }
0x45: {  	v3 =	vcvt.f32.s32 v3;
	v4 =	vtrunc.f32 v4;
	vm1 =	vmand vm1, vm0  }
0x46: {  	v4 =	vcvt.f32.s32 v4;
	v2 =	vadd.s32 v2, v0;
	v5 =	vnsel vm1, $0x40000000, v44  }
0x47: {  	vm1 =	veq.f32 v45, v45;
	v3 =	vadd.s32 v3, v0;
	v5 =	vtrunc.f32 v5  }
0x48: {  	vm1 =	vmand vm1, vm0;
	v4 =	vadd.s32 v4, v0;
	v5 =	vcvt.f32.s32 v5  }
0x49: {  	[tilespmem:$0x280] =	vst v1;
	v1 =	vnsel vm1, $0x40000000, v45;
	vm1 =	vmand vm2, vm0;
	vm2 =	veq.f32 v47, v47  }
0x4a: {  	[tilespmem:$0x290] =	vst v2;
	v1 =	vtrunc.f32 v1;
	v2 =	vnsel vm1, $0x40000000, v46;
	vm1 =	vmand vm2, vm0  }
0x4b: {  	[tilespmem:$0x2A0] =	vst v3;
	v1 =	vcvt.f32.s32 v1;
	v2 =	vtrunc.f32 v2;
	v3 =	vnsel vm1, $0x40000000, v47  }
0x4c: {  	[tilespmem:$0x2B0] =	vst v4;
	v48 =	vadd.s32 v5, v0;
	v2 =	vcvt.f32.s32 v2;
	v3 =	vtrunc.f32 v3  }
0x4d: {  	[tilespmem:$0x2C0] =	vst v48;
	v1 =	vadd.s32 v1, v0;
	v3 =	vcvt.f32.s32 v3  }
0x4e: {  	[tilespmem:$0x2D0] =	vst v1;
	v1 =	vadd.s32 v2, v0  }
0x4f: {  	[tilespmem:$0x2E0] =	vst v1;
	v1 =	vadd.s32 v3, v0  }
0x50: {  	[tilespmem:$0x2F0] =	vst v1  }
0x51: {  	[tilespmem:s21], [sflag:$0x2] =	stream.indirect.gather [spmem:s3], $0x80, s20, s17, $0xb8;
	[tilespmem:$0x10580] =	vst v63  }
0x52: {  	v1 =	vld [tilespmem:$0x100];
	_ =	sdelay $0x2  }
0x53: {  	v2 =	vld [tilespmem:$0x110]  }
0x54: {  	v3 =	vld [tilespmem:$0x120]  }
0x55: {  	v49 =	vld [tilespmem:$0x130];
	vm1 =	veq.f32 v1, v1  }
0x56: {  	vm1 =	vmand vm1, vm0  }
0x57: {  	v52 =	vld [tilespmem:$0x160];
	v1 =	vnsel vm1, $0x40000000, v1  }
0x58: {  	v50 =	vld [tilespmem:$0x140];
	vm1 =	veq.f32 v2, v2;
	v1 =	vtrunc.f32 v1  }
0x59: {  	vm2 =	veq.f32 v3, v3;
	vm1 =	vmand vm1, vm0;
	v1 =	vcvt.f32.s32 v1  }
0x5a: {  	v2 =	vnsel vm1, $0x40000000, v2;
	vm1 =	vmand vm2, vm0;
	vm2 =	veq.f32 v49, v49  }
0x5b: {  	v51 =	vld [tilespmem:$0x150];
	v2 =	vtrunc.f32 v2;
	v3 =	vnsel vm1, $0x40000000, v3;
	vm1 =	vmand vm2, vm0  }
0x5c: {  	vm2 =	veq.f32 v52, v52;
	v2 =	vcvt.f32.s32 v2;
	v3 =	vtrunc.f32 v3  }
0x5d: {  	v53 =	vld [tilespmem:$0x170];
	v4 =	vnsel vm1, $0x40000000, v49;
	vm1 =	veq.f32 v50, v50;
	v1 =	vadd.s32 v1, v0  }
0x5e: {  	v3 =	vcvt.f32.s32 v3;
	v4 =	vtrunc.f32 v4;
	vm1 =	vmand vm1, vm0  }
0x5f: {  	v4 =	vcvt.f32.s32 v4;
	v2 =	vadd.s32 v2, v0;
	v5 =	vnsel vm1, $0x40000000, v50  }
0x60: {  	vm1 =	veq.f32 v51, v51;
	v3 =	vadd.s32 v3, v0;
	v5 =	vtrunc.f32 v5  }
0x61: {  	vm1 =	vmand vm1, vm0;
	v4 =	vadd.s32 v4, v0;
	v5 =	vcvt.f32.s32 v5  }
0x62: {  	[tilespmem:$0x300] =	vst v1;
	v1 =	vnsel vm1, $0x40000000, v51;
	vm1 =	vmand vm2, vm0;
	vm2 =	veq.f32 v53, v53  }
0x63: {  	[tilespmem:$0x310] =	vst v2;
	v1 =	vtrunc.f32 v1;
	v2 =	vnsel vm1, $0x40000000, v52;
	vm1 =	vmand vm2, vm0  }
0x64: {  	[tilespmem:$0x320] =	vst v3;
	v1 =	vcvt.f32.s32 v1;
	v2 =	vtrunc.f32 v2;
	v3 =	vnsel vm1, $0x40000000, v53  }
0x65: {  	[tilespmem:$0x330] =	vst v4;
	v54 =	vadd.s32 v5, v0;
	v2 =	vcvt.f32.s32 v2;
	v3 =	vtrunc.f32 v3  }
0x66: {  	[tilespmem:$0x340] =	vst v54;
	v1 =	vadd.s32 v1, v0;
	v3 =	vcvt.f32.s32 v3  }
0x67: {  	[tilespmem:$0x350] =	vst v1;
	v1 =	vadd.s32 v2, v0  }
0x68: {  	[tilespmem:$0x360] =	vst v1;
	v1 =	vadd.s32 v3, v0  }
0x69: {  	[tilespmem:$0x370] =	vst v1  }
0x6a: {  	[tilespmem:s23], [sflag:$0x2] =	stream.indirect.gather [spmem:s3], $0x80, s22, s17, $0xb8;
	[tilespmem:$0x10580] =	vst v63  }
0x6b: {  	v1 =	vld [tilespmem:$0x180]  }
0x6c: {  	v3 =	vld [tilespmem:$0x1A0]  }
0x6d: {  	v2 =	vld [tilespmem:$0x190]  }
0x6e: {  	v57 =	vld [tilespmem:$0x1D0]  }
0x6f: {  	v55 =	vld [tilespmem:$0x1B0]  }
0x70: {  	vm1 =	veq.f32 v1, v1  }
0x71: {  	v58 =	vld [tilespmem:$0x1E0];
	vm2 =	veq.f32 v3, v3;
	vm1 =	vmand vm1, vm0  }
0x72: {  	vm2 =	vmand vm2, vm0;
	v1 =	vnsel vm1, $0x40000000, v1  }
0x73: {  	v56 =	vld [tilespmem:$0x1C0];
	vm1 =	veq.f32 v2, v2;
	v3 =	vnsel vm2, $0x40000000, v3;
	vm2 =	veq.f32 v57, v57  }
0x74: {  	vm3 =	veq.f32 v55, v55;
	vm1 =	vmand vm1, vm0;
	vm2 =	vmand vm2, vm0  }
0x75: {  	v1 =	vtrunc.f32 v1;
	v3 =	vtrunc.f32 v3;
	v2 =	vnsel vm1, $0x40000000, v2  }
0x76: {  	v59 =	vld [tilespmem:$0x1F0];
	vm1 =	vmand vm3, vm0;
	vm3 =	veq.f32 v58, v58;
	v6 =	vnsel vm2, $0x40000000, v57  }
0x77: {  	v1 =	vcvt.f32.s32 v1;
	v3 =	vcvt.f32.s32 v3;
	v4 =	vnsel vm1, $0x40000000, v55  }
0x78: {  	vm1 =	veq.f32 v56, v56;
	v2 =	vtrunc.f32 v2;
	v61 =	vtrunc.f32 v6  }
0x79: {  	vm1 =	vmand vm1, vm0;
	v2 =	vcvt.f32.s32 v2;
	v1 =	vadd.s32 v1, v0  }
0x7a: {  	v4 =	vtrunc.f32 v4;
	v5 =	vnsel vm1, $0x40000000, v56;
	vm1 =	vmand vm3, vm0  }
0x7b: {  	[tilespmem:$0x380] =	vst v1;
	v7 =	vnsel vm1, $0x40000000, v58;
	vm1 =	veq.f32 v59, v59;
	v1 =	vadd.s32 v2, v0  }
0x7c: {  	v2 =	vcvt.f32.s32 v4;
	v60 =	vtrunc.f32 v5;
	vm1 =	vmand vm1, vm0  }
0x7d: {  	[tilespmem:$0x390] =	vst v1;
	v1 =	vadd.s32 v3, v0;
	v3 =	vcvt.f32.s32 v60;
	v62 =	vtrunc.f32 v7  }
0x7e: {  	v8 =	vnsel vm1, $0x40000000, v59;
	[tilespmem:$0x3A0] =	vst v1;
	v1 =	vadd.s32 v2, v0;
	v2 =	vcvt.f32.s32 v61  }
0x7f: {  	[tilespmem:$0x3B0] =	vst v1;
	v1 =	vadd.s32 v3, v0;
	v3 =	vcvt.f32.s32 v62;
	v63 =	vtrunc.f32 v8  }
0x80: {  	[tilespmem:$0x3C0] =	vst v1;
	v1 =	vadd.s32 v2, v0;
	v2 =	vcvt.f32.s32 v63  }
0x81: {  	[tilespmem:$0x3D0] =	vst v1;
	v1 =	vadd.s32 v3, v0  }
0x82: {  	[tilespmem:$0x3E0] =	vst v1;
	v1 =	vadd.s32 v2, v0  }
0x83: {  	[tilespmem:$0x3F0] =	vst v1  }
0x84: {  	[tilespmem:s25], [sflag:$0x2] =	stream.indirect.gather [spmem:s3], $0x80, s24, s17, $0xb8;
	[tilespmem:$0x10580] =	vst v63  }
0x85: {  	_ =	swait.ge [sflag:s15], $0x4000  }
0x86: {  	[sflag:s15] =	ssyncset.done $0x0  }
0x87: {  	[sflag:s15] =	ssyncadd.s32 $0xFFFFC000  }
0x88: {  	[hbm4b:s8+s5] =	stream.linear.scatter [tilespmem:s19], [sflag:$0x3], $0x4000, $0x38;
	[tilespmem:$0x10580] =	vst v63  }
0x89: {  	_ =	swait.ge [sflag:s15], $0x4000  }
0x8a: {  	[sflag:s15] =	ssyncset.done $0x0  }
0x8b: {  	[sflag:s15] =	ssyncadd.s32 $0xFFFFC000  }
0x8c: {  	[hbm4b:s9+s5] =	stream.linear.scatter [tilespmem:s21], [sflag:$0x3], $0x4000, $0x38;
	[tilespmem:$0x10580] =	vst v63  }
0x8d: {  	_ =	swait.ge [sflag:s15], $0x4000  }
0x8e: {  	[sflag:s15] =	ssyncset.done $0x0  }
0x8f: {  	[sflag:s15] =	ssyncadd.s32 $0xFFFFC000  }
0x90: {  	[hbm4b:s10+s5] =	stream.linear.scatter [tilespmem:s23], [sflag:$0x3], $0x4000, $0x38;
	[tilespmem:$0x10580] =	vst v63  }
0x91: {  	_ =	swait.ge [sflag:s15], $0x4000  }
0x92: {  	[sflag:s15] =	ssyncset.done $0x0  }
0x93: {  	[sflag:s15] =	ssyncadd.s32 $0xFFFFC000  }
0x94: {  	[hbm4b:s11+s5] =	stream.linear.scatter [tilespmem:s25], [sflag:$0x3], $0x4000, $0x38;
	[tilespmem:$0x10580] =	vst v63  }
0x95: {  	_ =	swait.ge [sflag:s26], $0x4000  }
0x96: {  	[sflag:s26] =	ssyncset.done $0x0  }
0x97: {  	[sflag:s26] =	ssyncadd.s32 $0xFFFFC000  }
0x98: {  	_ =	swait.ge [sflag:s26], $0x4000  }
0x99: {  	[sflag:s26] =	ssyncset.done $0x0  }
0x9a: {  	[sflag:s26] =	ssyncadd.s32 $0xFFFFC000  }
0x9b: {  	p0 =	sne.s32 s12, $0x1;
	_ =	swait.ge [sflag:s26], $0x4000  }
.Ltmp0:
0x9c: {  	[sflag:s26] =	ssyncset.done $0x0;
	(pc) =	sbr.rel @p0 .LBB2_1-.Ltmp0, $4  }
0x9d: {  	[sflag:s26] =	ssyncadd.s32 $0xFFFFC000  }
0x9e: {  	_ =	swait.ge [sflag:s26], $0x4000  }
0x9f: {  	[sflag:s26] =	ssyncset.done $0x0  }
0xa0: {  	s12 =	sadd.s32 $0xFFFFFFFF, s12;
	[sflag:s26] =	ssyncadd.s32 $0xFFFFC000  }
0xa1: {  	_ =	sfence.sel $0x180000  }
0xa2: {  	[bflag:$0x0] =	sbarrier.arrive $0xFFFF  }
0xa3: {  	p0 =	sne.s32 s4, $0x0;
	_ =	strace $0x90000047  }
0xa4: {  	s0 =	sadd.s32 @!p0 $0x100000, s0;
	[bflag:$0x2] =	sbarrier.arrive $0xFFFF  }
0xa5: {  	[sflag:s0] =	ssyncadd.tile.s32 @!p0 $0x1;
	_ =	shalt  }
.Lfunc_end2:
_tile_overlayer_lowered:
.L_overlay_start_2:
0xa6: {  	(tag) =	ssettag $0x2  }
0xa7: {  	s0 =	rddreg [dreg:$0x0];
	s2 =	stileid.u32  }
0xa8: {  	s1 =	rddreg [dreg:$0x1];
	p0 =	sne.s32 s2, $0x0  }
0xa9: {  	s3 =	rddreg [dreg:$0x2];
	[bflag:$0x3] =	sbarrier.arrive $0xFFFF;
	s2 =	simm.s32 @!p0 $0x1C04  }
0xaa: {  	[timem:s3], [sflag:s2] =	dma.local @!p0 [hbm:s0], s1  }
0xab: {  	s0 =	simm.s32 @!p0 $0x4  }
0xac: {  	_ =	swait.ge @!p0 [sflag:s0], s1  }
0xad: {  	s1 =	ssub.s32 @!p0 $0x0, s1;
	[sflag:s0] =	ssyncset.done @!p0 $0x0  }
0xae: {  	[sflag:s0] =	ssyncadd.s32 @!p0 s1  }
0xaf: {  	[bflag:$0x3] =	sbarrier.arrive $0xFFFF  }
0xb0: {  	_ =	shalt  }

</sc_bundles>
